<compile_context>
chip_gen: v7x
topology: tpu7x:2x2x1
jax: 0.10.2.dev20260603
libtpu: 0.0.44.dev20260713+nightly
codegen_flags: <defaults>
</compile_context>

<pallas_src>
import functools

import jax
import jax.numpy as jnp
from jax import lax
from jax.experimental import pallas as pl
from jax.experimental.pallas import tpu as pltpu
from jax.experimental.pallas import tpu_sc as plsc

_N_CLASSES = 100000
_K = 5
_BATCH = 128
_BC = 10000
_S = 40
_NSL = _BC // _S
_GRID = _N_CLASSES // _BC
_NEG = float(-jnp.inf)
_LANES = 16
_NW_USED = _BATCH // _LANES


def _make_fy_gather():
    mesh = plsc.VectorSubcoreMesh(core_axis_name="c", subcore_axis_name="s")

    @functools.partial(
        pl.kernel,
        mesh=mesh,
        out_type=jax.ShapeDtypeStruct((_BATCH,), jnp.float32),
        scratch_types=[
            pltpu.VMEM((_LANES,), jnp.int32),
            pltpu.VMEM((_LANES,), jnp.int32),
            pltpu.VMEM((_LANES,), jnp.float32),
            pltpu.SemaphoreType.DMA,
        ],
    )
    def fy_gather(xt_flat_hbm, y_hbm, fy_hbm, y_v, idx_v, g_v, sem):
        wid = lax.axis_index("s") * 2 + lax.axis_index("c")

        @pl.when(wid < _NW_USED)
        def _():
            base = wid * _LANES
            pltpu.sync_copy(y_hbm.at[pl.ds(base, _LANES)], y_v)
            sample = lax.broadcasted_iota(jnp.int32, (_LANES,), 0) + base
            idx_v[...] = y_v[...] * _BATCH + sample
            pltpu.async_copy(xt_flat_hbm.at[idx_v], g_v, sem).wait()
            pltpu.sync_copy(g_v, fy_hbm.at[pl.ds(base, _LANES)])

    return fy_gather


def _stream_body(xt_ref, fy_in_ref, loss_ref, tie_ref, a_ref, es_ref):
    k = pl.program_id(0)

    @pl.when(k == 0)
    def _init():
        a_ref[...] = jnp.full_like(a_ref, _NEG)
        es_ref[...] = jnp.zeros_like(es_ref)

    def slab(j, c):
        a1, a2, a3, a4, a5, es = c
        t = xt_ref[pl.ds(j * _S, _S), :]
        es = es + jnp.exp(t)
        lo = jnp.minimum(a1, t)
        a1 = jnp.maximum(a1, t)
        lo2 = jnp.minimum(a2, lo)
        a2 = jnp.maximum(a2, lo)
        lo3 = jnp.minimum(a3, lo2)
        a3 = jnp.maximum(a3, lo2)
        lo4 = jnp.minimum(a4, lo3)
        a4 = jnp.maximum(a4, lo3)
        a5 = jnp.maximum(a5, lo4)
        return a1, a2, a3, a4, a5, es

    carry = (a_ref[0], a_ref[1], a_ref[2], a_ref[3], a_ref[4], es_ref[...])
    carry = lax.fori_loop(0, _NSL, slab, carry, unroll=5)
    for i in range(5):
        a_ref[i] = carry[i]
    es_ref[...] = carry[5]

    @pl.when(k == _GRID - 1)
    def _finish():
        accs = [a_ref[i] for i in range(5)]
        es_l = jnp.sum(es_ref[...], axis=0, keepdims=True)
        fy_l = fy_in_ref[...]

        neg_inf = jnp.float32(_NEG)
        m = accs[0][0:1, :]
        for a in accs:
            m = jnp.maximum(m, jnp.max(a, axis=0, keepdims=True))
        tops = jnp.zeros_like(fy_l)
        remaining = jnp.full_like(fy_l, float(_K))
        v5 = m
        for t_i in range(_K):
            c = jnp.zeros_like(fy_l)
            for a in accs:
                c += jnp.sum(jnp.where(a == m, 1.0, 0.0), axis=0,
                             keepdims=True)
            take = jnp.minimum(remaining, c)
            tops += take * jnp.exp(jnp.minimum(m - fy_l, 80.0))
            remaining -= take
            v5 = jnp.where(take > 0.0, m, v5)
            if t_i < _K - 1:
                nm = jnp.full_like(fy_l, _NEG)
                for a in accs:
                    nm = jnp.maximum(
                        nm, jnp.max(jnp.where(a < m, a, neg_inf),
                                    axis=0, keepdims=True))
                m = nm

        ind = jnp.where(fy_l < v5, 1.0, 0.0)
        tail = jnp.exp(-fy_l) * es_l - tops - ind
        losses = jnp.log(1.0 + tail)
        loss_ref[...] = (jnp.sum(losses) * (1.0 / _BATCH)).reshape(1, 1)
        tie = jnp.any(fy_l == v5)
        tie_ref[...] = jnp.where(tie, 1.0, 0.0).reshape(1, 1)


def _exact_body(x_ref, y_ref, out_ref, losses_ref):
    _BR = 8
    yv = y_ref[pl.ds(pl.program_id(0) * _BR, _BR), :]
    rows = x_ref[...]
    col = lax.broadcasted_iota(jnp.int32, rows.shape, 1)
    neg_inf = jnp.float32(_NEG)

    fy = jnp.sum(jnp.where(col == yv, rows, 0.0), axis=1, keepdims=True)
    e_sum = jnp.sum(jnp.exp(rows), axis=1, keepdims=True)
    rem5 = jnp.full_like(fy, float(_K))
    tops = jnp.zeros_like(fy)
    thr = jnp.full_like(fy, jnp.inf)
    for _ in range(_K):
        mx = jnp.max(jnp.where(rows < thr, rows, neg_inf),
                     axis=1, keepdims=True)
        cx = jnp.sum(jnp.where(rows == mx, 1.0, 0.0), axis=1, keepdims=True)
        take = jnp.minimum(rem5, cx)
        tops += take * jnp.exp(jnp.minimum(mx - fy, 80.0))
        rem5 -= take
        thr = mx
    cnt_gt = jnp.sum(jnp.where(rows > fy, 1.0, 0.0), axis=1, keepdims=True)
    cnt_eqb = jnp.sum(jnp.where((rows == fy) & (col < yv), 1.0, 0.0),
                      axis=1, keepdims=True)
    ind = jnp.where(cnt_gt + cnt_eqb >= float(_K), 1.0, 0.0)
    tail = jnp.exp(-fy) * e_sum - tops - ind
    losses_ref[...] = jnp.log(1.0 + tail)

    @pl.when(pl.program_id(0) == 0)
    def _init():
        out_ref[...] = jnp.zeros_like(out_ref)

    out_ref[...] += jnp.sum(losses_ref[...]).reshape(1, 1) * (1.0 / _BATCH)


def _exact_loss(x, y2):
    return pl.pallas_call(
        _exact_body,
        grid=(16,),
        in_specs=[
            pl.BlockSpec((8, _N_CLASSES), lambda i: (i, 0)),
            pl.BlockSpec((_BATCH, 1), lambda i: (0, 0)),
        ],
        out_specs=pl.BlockSpec((1, 1), lambda i: (0, 0)),
        out_shape=jax.ShapeDtypeStruct((1, 1), jnp.float32),
        scratch_shapes=[pltpu.VMEM((8, 1), jnp.float32)],
    )(x, y2)[0, 0]


@jax.jit
def kernel(x, y):
    xt = x.T
    fy = _make_fy_gather()(xt.reshape(-1), y)
    loss, tie = pl.pallas_call(
        _stream_body,
        grid=(_GRID,),
        in_specs=[
            pl.BlockSpec((_BC, _BATCH), lambda i: (i, 0)),
            pl.BlockSpec((1, _BATCH), lambda i: (0, 0)),
        ],
        out_specs=[
            pl.BlockSpec((1, 1), lambda i: (0, 0)),
            pl.BlockSpec((1, 1), lambda i: (0, 0)),
        ],
        out_shape=[
            jax.ShapeDtypeStruct((1, 1), jnp.float32),
            jax.ShapeDtypeStruct((1, 1), jnp.float32),
        ],
        scratch_shapes=[
            pltpu.VMEM((5, _S, _BATCH), jnp.float32),
            pltpu.VMEM((_S, _BATCH), jnp.float32),
        ],
    )(xt, fy.reshape(1, _BATCH))
    y2 = y.reshape(_BATCH, 1)
    return lax.cond(tie[0, 0] > 0.0,
                    lambda ops: _exact_loss(*ops),
                    lambda ops: loss[0, 0],
                    (x, y2))

# --- scband reference (transcript-rebuilt; emitter-appended) ---
"""Pipeline reference for scband-entr-loss-9139690405898 (READ-ONLY COPY).

The authoritative reference and input builder live on the scoring server;
editing this copy changes nothing except your own understanding.
"""

import jax, jax.numpy as jnp
import numpy as np

N_CLASSES = 100000
K = 5
TAU = 1.0
BATCH = 128


def setup_inputs(seed: int = 0) -> dict:
    key = jax.random.key(seed)
    kx, ky = jax.random.split(key)
    x = jax.random.normal(kx, (BATCH, N_CLASSES), dtype=jnp.float32)
    y = jax.random.randint(ky, (BATCH,), 0, N_CLASSES, dtype=jnp.int32)
    return {"x": x, "y": y}


def reference(x, y):
    xs = x / TAU
    # descending sort with indices (match torch.sort(descending=True))
    I = jnp.argsort(-xs, axis=1)
    x_sorted = jnp.take_along_axis(xs, I, axis=1)
    x_sorted_last = x_sorted[:, K:]
    I_last = I[:, K:]
    fy = jnp.take_along_axis(xs, y[:, None], axis=1)
    J = (I_last != y[:, None]).astype(xs.dtype)
    safe_z = jnp.minimum(x_sorted_last - fy, 80.0)
    losses = jnp.log(1.0 + jnp.sum(jnp.exp(safe_z) * J, axis=1))
    return jnp.mean(losses)

if __name__ == "__main__":
    import jax
    _d = setup_inputs()
    print(jax.jit(kernel)(*tuple(_d.values())))

</pallas_src>

<mosaic_0001>
#map = affine_map<(d0, d1) -> (0)>
module attributes {stable_mosaic.version = 14 : i64} {
  func.func @fy_gather(%arg0: i32, %arg1: i32, %arg2: memref<12800000xf32, #tpu.memory_space<hbm>>, %arg3: memref<128xi32, #tpu.memory_space<hbm>>, %arg4: memref<128xf32, #tpu.memory_space<hbm>>, %arg5: memref<16xi32, #tpu.memory_space<vmem>>, %arg6: memref<16xi32, #tpu.memory_space<vmem>>, %arg7: memref<16xf32, #tpu.memory_space<vmem>>, %arg8: memref<!tpu.dma_semaphore, #tpu.memory_space<semaphore_mem>>) attributes {dimension_semantics = [#tpu.dimension_semantics<core_parallel>, #tpu.dimension_semantics<subcore_parallel>], iteration_bounds = array<i64: 2, 16>, scalar_prefetch = 0 : i64, scratch_operands = 4 : i64, tpu.core_type = #tpu.core_type<sc_vector_subcore>, window_params = [{transform_indices = #map}, {transform_indices = #map}, {transform_indices = #map}]} {
    %mul3A = arith.constant 2 : i32
    %mul3A_0 = arith.muli %arg1, %mul3A : i32
    %add3A = arith.addi %mul3A_0, %arg0 : i32
    %lt3A = arith.constant 8 : i32
    %lt3A_1 = arith.cmpi slt, %add3A, %lt3A : i32
    %convert_element_type3A = arith.extui %lt3A_1 : i1 to i32
    %cond3A = arith.constant 0 : i32
    %cond3A_2 = arith.cmpi ne, %convert_element_type3A, %cond3A : i32
    scf.if %cond3A_2 {
      %mul3A_3 = arith.constant 16 : i32
      %mul3A_4 = arith.muli %add3A, %mul3A_3 : i32
      "tpu.region"() ({
        %run_scoped3A = tpu.sem_alloc : memref<!tpu.dma_semaphore, #tpu.memory_space<semaphore_mem>>
        %dma_start3A_18 = tpu.memref_slice %arg3[%mul3A_4] : memref<128xi32, #tpu.memory_space<hbm>> -> memref<16xi32, #tpu.memory_space<hbm>>
        %dma_start3A_19 = tpu.memref_slice %arg3[%mul3A_4] : memref<128xi32, #tpu.memory_space<hbm>> -> memref<16xi32, #tpu.memory_space<hbm>>
        tpu.enqueue_dma source(%dma_start3A_19 : memref<16xi32, #tpu.memory_space<hbm>>) target(%arg5 : memref<16xi32, #tpu.memory_space<vmem>>) target_semaphore(%run_scoped3A : memref<!tpu.dma_semaphore, #tpu.memory_space<semaphore_mem>>)
        %dma_wait3A_20 = tpu.memref_slice %arg3[%mul3A_4] : memref<128xi32, #tpu.memory_space<hbm>> -> memref<16xi32, #tpu.memory_space<hbm>>
        %dma_wait3A_21 = tpu.memref_slice %arg3[%mul3A_4] : memref<128xi32, #tpu.memory_space<hbm>> -> memref<16xi32, #tpu.memory_space<hbm>>
        tpu.wait_dma2 semaphore(%run_scoped3A : memref<!tpu.dma_semaphore, #tpu.memory_space<semaphore_mem>>) src(%dma_wait3A_21 : memref<16xi32, #tpu.memory_space<hbm>>) dst(%arg5 : memref<16xi32, #tpu.memory_space<vmem>>)
        tpu.yield
      }) : () -> ()
      %iota3A = tpu.iota {dimensions = array<i32: 0>} : vector<16xi32>
      %add3A_5 = vector.broadcast %mul3A_4 : i32 to vector<16xi32>
      %add3A_6 = arith.addi %iota3A, %add3A_5 : vector<16xi32>
      %get3A = arith.constant 0 : index
      %get3A_7 = tpu.vector_load %arg5[%get3A] {strides = array<i32>} : memref<16xi32, #tpu.memory_space<vmem>>, vector<16xi32>,
      %get3A_8 = vector.shape_cast %get3A_7 : vector<16xi32> to vector<16xi32>
      %mul3A_9 = arith.constant 128 : i32
      %mul3A_10 = vector.broadcast %mul3A_9 : i32 to vector<16xi32>
      %mul3A_11 = arith.muli %get3A_8, %mul3A_10 : vector<16xi32>
      %add3A_12 = arith.addi %mul3A_11, %add3A_6 : vector<16xi32>
      %swap3A = arith.constant 0 : index
      %swap3A_13 = tpu.vector_load %arg6[%swap3A] {strides = array<i32>} : memref<16xi32, #tpu.memory_space<vmem>>, vector<16xi32>,
      %swap3A_14 = vector.shape_cast %swap3A_13 : vector<16xi32> to vector<16xi32>
      %swap3A_15 = vector.shape_cast %add3A_12 : vector<16xi32> to vector<16xi32>
      tpu.vector_store %arg6[%swap3A], %swap3A_15 {strides = array<i32>} : memref<16xi32, #tpu.memory_space<vmem>>, vector<16xi32>,
      %dma_start3A = arith.constant 0 : i32
      %dma_start3A_16 = tpu.memref_slice %arg2[%dma_start3A] : memref<12800000xf32, #tpu.memory_space<hbm>> -> memref<12800000xf32, #tpu.memory_space<hbm>>
      tpu.enqueue_indirect_dma source(%dma_start3A_16 : memref<12800000xf32, #tpu.memory_space<hbm>>) target(%arg7 : memref<16xf32, #tpu.memory_space<vmem>>) offsets(%arg6 : memref<16xi32, #tpu.memory_space<vmem>>) semaphore(%arg8 : memref<!tpu.dma_semaphore, #tpu.memory_space<semaphore_mem>>)
      %dma_wait3A = arith.constant 0 : i32
      %dma_wait3A_17 = tpu.memref_slice %arg2[%dma_wait3A] : memref<12800000xf32, #tpu.memory_space<hbm>> -> memref<12800000xf32, #tpu.memory_space<hbm>>
      tpu.wait_indirect_dma semaphore(%arg8 : memref<!tpu.dma_semaphore, #tpu.memory_space<semaphore_mem>>) src(%dma_wait3A_17 : memref<12800000xf32, #tpu.memory_space<hbm>>) dst(%arg7 : memref<16xf32, #tpu.memory_space<vmem>>)
      "tpu.region"() ({
        %run_scoped3A = tpu.sem_alloc : memref<!tpu.dma_semaphore, #tpu.memory_space<semaphore_mem>>
        %dma_start3A_18 = tpu.memref_slice %arg4[%mul3A_4] : memref<128xf32, #tpu.memory_space<hbm>> -> memref<16xf32, #tpu.memory_space<hbm>>
        %dma_start3A_19 = tpu.memref_slice %arg4[%mul3A_4] : memref<128xf32, #tpu.memory_space<hbm>> -> memref<16xf32, #tpu.memory_space<hbm>>
        tpu.enqueue_dma source(%arg7 : memref<16xf32, #tpu.memory_space<vmem>>) target(%dma_start3A_19 : memref<16xf32, #tpu.memory_space<hbm>>) target_semaphore(%run_scoped3A : memref<!tpu.dma_semaphore, #tpu.memory_space<semaphore_mem>>)
        %dma_wait3A_20 = tpu.memref_slice %arg4[%mul3A_4] : memref<128xf32, #tpu.memory_space<hbm>> -> memref<16xf32, #tpu.memory_space<hbm>>
        %dma_wait3A_21 = tpu.memref_slice %arg4[%mul3A_4] : memref<128xf32, #tpu.memory_space<hbm>> -> memref<16xf32, #tpu.memory_space<hbm>>
        tpu.wait_dma2 semaphore(%run_scoped3A : memref<!tpu.dma_semaphore, #tpu.memory_space<semaphore_mem>>) src(%arg7 : memref<16xf32, #tpu.memory_space<vmem>>) dst(%dma_wait3A_21 : memref<16xf32, #tpu.memory_space<hbm>>)
        tpu.yield
      }) : () -> ()
    } else {
    }
    return
  }
}

module attributes {stable_mosaic.version = 14 : i64} {
  func.func @_stream_body(%arg0: i32, %arg1: memref<10000x128xf32, #tpu.memory_space<vmem>>, %arg2: memref<1x128xf32, #tpu.memory_space<vmem>>, %arg3: memref<1x1xf32, #tpu.memory_space<vmem>>, %arg4: memref<1x1xf32, #tpu.memory_space<vmem>>, %arg5: memref<5x40x128xf32, #tpu.memory_space<vmem>>, %arg6: memref<40x128xf32, #tpu.memory_space<vmem>>) attributes {dimension_semantics = [#tpu.dimension_semantics<arbitrary>], iteration_bounds = array<i64: 10>, scalar_prefetch = 0 : i64, scratch_operands = 2 : i64, tpu.core_type = #tpu.core_type<tc>, window_params = [{transform_indices = @transform_0, window_bounds = array<i64: 10000, 128>}, {pipeline_mode = #tpu.pipeline_mode<synchronous>, transform_indices = @transform_1, window_bounds = array<i64: 1, 128>}, {pipeline_mode = #tpu.pipeline_mode<synchronous>, transform_indices = @transform_2, window_bounds = array<i64: 1, 1>}, {pipeline_mode = #tpu.pipeline_mode<synchronous>, transform_indices = @transform_3, window_bounds = array<i64: 1, 1>}]} {
    %eq3A = arith.constant 0 : i32
    %eq3A_0 = arith.cmpi eq, %arg0, %eq3A : i32
    %convert_element_type3A = arith.extui %eq3A_0 : i1 to i32
    %cond3A = arith.constant 0 : i32
    %cond3A_1 = arith.cmpi ne, %convert_element_type3A, %cond3A : i32
    scf.if %cond3A_1 {
      %broadcast_in_dim3A = arith.constant 0xFF800000 : f32
      %broadcast_in_dim3A_71 = vector.broadcast %broadcast_in_dim3A : f32 to vector<5x40x128xf32>
      %swap3A_72 = arith.constant 0 : index
      %swap3A_73 = arith.constant 0 : index
      %swap3A_74 = arith.constant 0 : index
      %swap3A_75 = vector.load %arg5[%swap3A_72, %swap3A_73, %swap3A_74] : memref<5x40x128xf32, #tpu.memory_space<vmem>>, vector<5x40x128xf32>
      tpu.vector_store %arg5[%swap3A_72, %swap3A_73, %swap3A_74], %broadcast_in_dim3A_71 {strides = array<i32>} : memref<5x40x128xf32, #tpu.memory_space<vmem>>, vector<5x40x128xf32>,
      %broadcast_in_dim3A_76 = arith.constant 0.000000e+00 : f32
      %broadcast_in_dim3A_77 = vector.broadcast %broadcast_in_dim3A_76 : f32 to vector<40x128xf32>
      %swap3A_78 = arith.constant 0 : index
      %swap3A_79 = arith.constant 0 : index
      %swap3A_80 = vector.load %arg6[%swap3A_78, %swap3A_79] : memref<40x128xf32, #tpu.memory_space<vmem>>, vector<40x128xf32>
      tpu.vector_store %arg6[%swap3A_78, %swap3A_79], %broadcast_in_dim3A_77 {strides = array<i32>} : memref<40x128xf32, #tpu.memory_space<vmem>>, vector<40x128xf32>,
    } else {
    }
    %get3A = arith.constant 0 : index
    %get3A_2 = arith.constant 0 : index
    %get3A_3 = arith.constant 0 : index
    %get3A_4 = vector.load %arg5[%get3A, %get3A_2, %get3A_3] : memref<5x40x128xf32, #tpu.memory_space<vmem>>, vector<1x40x128xf32>
    %get3A_5 = vector.shape_cast %get3A_4 : vector<1x40x128xf32> to vector<40x128xf32>
    %get3A_6 = arith.constant 1 : index
    %get3A_7 = arith.constant 0 : index
    %get3A_8 = arith.constant 0 : index
    %get3A_9 = vector.load %arg5[%get3A_6, %get3A_7, %get3A_8] : memref<5x40x128xf32, #tpu.memory_space<vmem>>, vector<1x40x128xf32>
    %get3A_10 = vector.shape_cast %get3A_9 : vector<1x40x128xf32> to vector<40x128xf32>
    %get3A_11 = arith.constant 2 : index
    %get3A_12 = arith.constant 0 : index
    %get3A_13 = arith.constant 0 : index
    %get3A_14 = vector.load %arg5[%get3A_11, %get3A_12, %get3A_13] : memref<5x40x128xf32, #tpu.memory_space<vmem>>, vector<1x40x128xf32>
    %get3A_15 = vector.shape_cast %get3A_14 : vector<1x40x128xf32> to vector<40x128xf32>
    %get3A_16 = arith.constant 3 : index
    %get3A_17 = arith.constant 0 : index
    %get3A_18 = arith.constant 0 : index
    %get3A_19 = vector.load %arg5[%get3A_16, %get3A_17, %get3A_18] : memref<5x40x128xf32, #tpu.memory_space<vmem>>, vector<1x40x128xf32>
    %get3A_20 = vector.shape_cast %get3A_19 : vector<1x40x128xf32> to vector<40x128xf32>
    %get3A_21 = arith.constant 4 : index
    %get3A_22 = arith.constant 0 : index
    %get3A_23 = arith.constant 0 : index
    %get3A_24 = vector.load %arg5[%get3A_21, %get3A_22, %get3A_23] : memref<5x40x128xf32, #tpu.memory_space<vmem>>, vector<1x40x128xf32>
    %get3A_25 = vector.shape_cast %get3A_24 : vector<1x40x128xf32> to vector<40x128xf32>
    %get3A_26 = arith.constant 0 : index
    %get3A_27 = arith.constant 0 : index
    %get3A_28 = vector.load %arg6[%get3A_26, %get3A_27] : memref<40x128xf32, #tpu.memory_space<vmem>>, vector<40x128xf32>
    %scan3A = arith.constant 0 : i32
    %scan3A_29 = arith.constant 250 : i32
    %scan3A_30 = arith.addi %scan3A, %scan3A_29 : i32
    %scan3A_31 = arith.constant 5 : i32
    %scan3A_32:6 = scf.for %scan3A_71 = %scan3A to %scan3A_30 step %scan3A_31 iter_args(%scan3A_72 = %get3A_5, %scan3A_73 = %get3A_10, %scan3A_74 = %get3A_15, %scan3A_75 = %get3A_20, %scan3A_76 = %get3A_25, %scan3A_77 = %get3A_28) -> (vector<40x128xf32>, vector<40x128xf32>, vector<40x128xf32>, vector<40x128xf32>, vector<40x128xf32>, vector<40x128xf32>)  : i32 {
      %mul3A = arith.constant 40 : i32
      %mul3A_78 = arith.muli %scan3A_71, %mul3A : i32
      %get3A_79 = arith.index_cast %mul3A_78 : i32 to index
      %get3A_80 = arith.constant 0 : index
      %get3A_81 = vector.load %arg1[%get3A_79, %get3A_80] : memref<10000x128xf32, #tpu.memory_space<vmem>>, vector<40x128xf32>
      %exp3A = math.exp %get3A_81 : vector<40x128xf32>
      %add3A = arith.addf %scan3A_77, %exp3A : vector<40x128xf32>
      %min3A = arith.minimumf %scan3A_72, %get3A_81 : vector<40x128xf32>
      %max3A = arith.maximumf %scan3A_72, %get3A_81 : vector<40x128xf32>
      %min3A_82 = arith.minimumf %scan3A_73, %min3A : vector<40x128xf32>
      %max3A_83 = arith.maximumf %scan3A_73, %min3A : vector<40x128xf32>
      %min3A_84 = arith.minimumf %scan3A_74, %min3A_82 : vector<40x128xf32>
      %max3A_85 = arith.maximumf %scan3A_74, %min3A_82 : vector<40x128xf32>
      %min3A_86 = arith.minimumf %scan3A_75, %min3A_84 : vector<40x128xf32>
      %max3A_87 = arith.maximumf %scan3A_75, %min3A_84 : vector<40x128xf32>
      %max3A_88 = arith.maximumf %scan3A_76, %min3A_86 : vector<40x128xf32>
      %scan3A_89 = arith.constant 1 : i32
      %scan3A_90 = arith.addi %scan3A_71, %scan3A_89 : i32
      %mul3A_91 = arith.constant 40 : i32
      %mul3A_92 = arith.muli %scan3A_90, %mul3A_91 : i32
      %get3A_93 = arith.index_cast %mul3A_92 : i32 to index
      %get3A_94 = arith.constant 0 : index
      %get3A_95 = vector.load %arg1[%get3A_93, %get3A_94] : memref<10000x128xf32, #tpu.memory_space<vmem>>, vector<40x128xf32>
      %exp3A_96 = math.exp %get3A_95 : vector<40x128xf32>
      %add3A_97 = arith.addf %add3A, %exp3A_96 : vector<40x128xf32>
      %min3A_98 = arith.minimumf %max3A, %get3A_95 : vector<40x128xf32>
      %max3A_99 = arith.maximumf %max3A, %get3A_95 : vector<40x128xf32>
      %min3A_100 = arith.minimumf %max3A_83, %min3A_98 : vector<40x128xf32>
      %max3A_101 = arith.maximumf %max3A_83, %min3A_98 : vector<40x128xf32>
      %min3A_102 = arith.minimumf %max3A_85, %min3A_100 : vector<40x128xf32>
      %max3A_103 = arith.maximumf %max3A_85, %min3A_100 : vector<40x128xf32>
      %min3A_104 = arith.minimumf %max3A_87, %min3A_102 : vector<40x128xf32>
      %max3A_105 = arith.maximumf %max3A_87, %min3A_102 : vector<40x128xf32>
      %max3A_106 = arith.maximumf %max3A_88, %min3A_104 : vector<40x128xf32>
      %scan3A_107 = arith.constant 2 : i32
      %scan3A_108 = arith.addi %scan3A_71, %scan3A_107 : i32
      %mul3A_109 = arith.constant 40 : i32
      %mul3A_110 = arith.muli %scan3A_108, %mul3A_109 : i32
      %get3A_111 = arith.index_cast %mul3A_110 : i32 to index
      %get3A_112 = arith.constant 0 : index
      %get3A_113 = vector.load %arg1[%get3A_111, %get3A_112] : memref<10000x128xf32, #tpu.memory_space<vmem>>, vector<40x128xf32>
      %exp3A_114 = math.exp %get3A_113 : vector<40x128xf32>
      %add3A_115 = arith.addf %add3A_97, %exp3A_114 : vector<40x128xf32>
      %min3A_116 = arith.minimumf %max3A_99, %get3A_113 : vector<40x128xf32>
      %max3A_117 = arith.maximumf %max3A_99, %get3A_113 : vector<40x128xf32>
      %min3A_118 = arith.minimumf %max3A_101, %min3A_116 : vector<40x128xf32>
      %max3A_119 = arith.maximumf %max3A_101, %min3A_116 : vector<40x128xf32>
      %min3A_120 = arith.minimumf %max3A_103, %min3A_118 : vector<40x128xf32>
      %max3A_121 = arith.maximumf %max3A_103, %min3A_118 : vector<40x128xf32>
      %min3A_122 = arith.minimumf %max3A_105, %min3A_120 : vector<40x128xf32>
      %max3A_123 = arith.maximumf %max3A_105, %min3A_120 : vector<40x128xf32>
      %max3A_124 = arith.maximumf %max3A_106, %min3A_122 : vector<40x128xf32>
      %scan3A_125 = arith.constant 3 : i32
      %scan3A_126 = arith.addi %scan3A_71, %scan3A_125 : i32
      %mul3A_127 = arith.constant 40 : i32
      %mul3A_128 = arith.muli %scan3A_126, %mul3A_127 : i32
      %get3A_129 = arith.index_cast %mul3A_128 : i32 to index
      %get3A_130 = arith.constant 0 : index
      %get3A_131 = vector.load %arg1[%get3A_129, %get3A_130] : memref<10000x128xf32, #tpu.memory_space<vmem>>, vector<40x128xf32>
      %exp3A_132 = math.exp %get3A_131 : vector<40x128xf32>
      %add3A_133 = arith.addf %add3A_115, %exp3A_132 : vector<40x128xf32>
      %min3A_134 = arith.minimumf %max3A_117, %get3A_131 : vector<40x128xf32>
      %max3A_135 = arith.maximumf %max3A_117, %get3A_131 : vector<40x128xf32>
      %min3A_136 = arith.minimumf %max3A_119, %min3A_134 : vector<40x128xf32>
      %max3A_137 = arith.maximumf %max3A_119, %min3A_134 : vector<40x128xf32>
      %min3A_138 = arith.minimumf %max3A_121, %min3A_136 : vector<40x128xf32>
      %max3A_139 = arith.maximumf %max3A_121, %min3A_136 : vector<40x128xf32>
      %min3A_140 = arith.minimumf %max3A_123, %min3A_138 : vector<40x128xf32>
      %max3A_141 = arith.maximumf %max3A_123, %min3A_138 : vector<40x128xf32>
      %max3A_142 = arith.maximumf %max3A_124, %min3A_140 : vector<40x128xf32>
      %scan3A_143 = arith.constant 4 : i32
      %scan3A_144 = arith.addi %scan3A_71, %scan3A_143 : i32
      %mul3A_145 = arith.constant 40 : i32
      %mul3A_146 = arith.muli %scan3A_144, %mul3A_145 : i32
      %get3A_147 = arith.index_cast %mul3A_146 : i32 to index
      %get3A_148 = arith.constant 0 : index
      %get3A_149 = vector.load %arg1[%get3A_147, %get3A_148] : memref<10000x128xf32, #tpu.memory_space<vmem>>, vector<40x128xf32>
      %exp3A_150 = math.exp %get3A_149 : vector<40x128xf32>
      %add3A_151 = arith.addf %add3A_133, %exp3A_150 : vector<40x128xf32>
      %min3A_152 = arith.minimumf %max3A_135, %get3A_149 : vector<40x128xf32>
      %max3A_153 = arith.maximumf %max3A_135, %get3A_149 : vector<40x128xf32>
      %min3A_154 = arith.minimumf %max3A_137, %min3A_152 : vector<40x128xf32>
      %max3A_155 = arith.maximumf %max3A_137, %min3A_152 : vector<40x128xf32>
      %min3A_156 = arith.minimumf %max3A_139, %min3A_154 : vector<40x128xf32>
      %max3A_157 = arith.maximumf %max3A_139, %min3A_154 : vector<40x128xf32>
      %min3A_158 = arith.minimumf %max3A_141, %min3A_156 : vector<40x128xf32>
      %max3A_159 = arith.maximumf %max3A_141, %min3A_156 : vector<40x128xf32>
      %max3A_160 = arith.maximumf %max3A_142, %min3A_158 : vector<40x128xf32>
      scf.yield %max3A_153, %max3A_155, %max3A_157, %max3A_159, %max3A_160, %add3A_151 : vector<40x128xf32>, vector<40x128xf32>, vector<40x128xf32>, vector<40x128xf32>, vector<40x128xf32>, vector<40x128xf32>
    }
    %scan3A_33 = arith.constant 250 : i32
    %swap3A = arith.constant 0 : index
    %swap3A_34 = arith.constant 0 : index
    %swap3A_35 = arith.constant 0 : index
    %swap3A_36 = vector.load %arg5[%swap3A, %swap3A_34, %swap3A_35] : memref<5x40x128xf32, #tpu.memory_space<vmem>>, vector<1x40x128xf32>
    %swap3A_37 = vector.shape_cast %swap3A_36 : vector<1x40x128xf32> to vector<40x128xf32>
    %swap3A_38 = vector.shape_cast %scan3A_32#0 : vector<40x128xf32> to vector<1x40x128xf32>
    tpu.vector_store %arg5[%swap3A, %swap3A_34, %swap3A_35], %swap3A_38 {strides = array<i32>} : memref<5x40x128xf32, #tpu.memory_space<vmem>>, vector<1x40x128xf32>,
    %swap3A_39 = arith.constant 1 : index
    %swap3A_40 = arith.constant 0 : index
    %swap3A_41 = arith.constant 0 : index
    %swap3A_42 = vector.load %arg5[%swap3A_39, %swap3A_40, %swap3A_41] : memref<5x40x128xf32, #tpu.memory_space<vmem>>, vector<1x40x128xf32>
    %swap3A_43 = vector.shape_cast %swap3A_42 : vector<1x40x128xf32> to vector<40x128xf32>
    %swap3A_44 = vector.shape_cast %scan3A_32#1 : vector<40x128xf32> to vector<1x40x128xf32>
    tpu.vector_store %arg5[%swap3A_39, %swap3A_40, %swap3A_41], %swap3A_44 {strides = array<i32>} : memref<5x40x128xf32, #tpu.memory_space<vmem>>, vector<1x40x128xf32>,
    %swap3A_45 = arith.constant 2 : index
    %swap3A_46 = arith.constant 0 : index
    %swap3A_47 = arith.constant 0 : index
    %swap3A_48 = vector.load %arg5[%swap3A_45, %swap3A_46, %swap3A_47] : memref<5x40x128xf32, #tpu.memory_space<vmem>>, vector<1x40x128xf32>
    %swap3A_49 = vector.shape_cast %swap3A_48 : vector<1x40x128xf32> to vector<40x128xf32>
    %swap3A_50 = vector.shape_cast %scan3A_32#2 : vector<40x128xf32> to vector<1x40x128xf32>
    tpu.vector_store %arg5[%swap3A_45, %swap3A_46, %swap3A_47], %swap3A_50 {strides = array<i32>} : memref<5x40x128xf32, #tpu.memory_space<vmem>>, vector<1x40x128xf32>,
    %swap3A_51 = arith.constant 3 : index
    %swap3A_52 = arith.constant 0 : index
    %swap3A_53 = arith.constant 0 : index
    %swap3A_54 = vector.load %arg5[%swap3A_51, %swap3A_52, %swap3A_53] : memref<5x40x128xf32, #tpu.memory_space<vmem>>, vector<1x40x128xf32>
    %swap3A_55 = vector.shape_cast %swap3A_54 : vector<1x40x128xf32> to vector<40x128xf32>
    %swap3A_56 = vector.shape_cast %scan3A_32#3 : vector<40x128xf32> to vector<1x40x128xf32>
    tpu.vector_store %arg5[%swap3A_51, %swap3A_52, %swap3A_53], %swap3A_56 {strides = array<i32>} : memref<5x40x128xf32, #tpu.memory_space<vmem>>, vector<1x40x128xf32>,
    %swap3A_57 = arith.constant 4 : index
    %swap3A_58 = arith.constant 0 : index
    %swap3A_59 = arith.constant 0 : index
    %swap3A_60 = vector.load %arg5[%swap3A_57, %swap3A_58, %swap3A_59] : memref<5x40x128xf32, #tpu.memory_space<vmem>>, vector<1x40x128xf32>
    %swap3A_61 = vector.shape_cast %swap3A_60 : vector<1x40x128xf32> to vector<40x128xf32>
    %swap3A_62 = vector.shape_cast %scan3A_32#4 : vector<40x128xf32> to vector<1x40x128xf32>
    tpu.vector_store %arg5[%swap3A_57, %swap3A_58, %swap3A_59], %swap3A_62 {strides = array<i32>} : memref<5x40x128xf32, #tpu.memory_space<vmem>>, vector<1x40x128xf32>,
    %swap3A_63 = arith.constant 0 : index
    %swap3A_64 = arith.constant 0 : index
    %swap3A_65 = vector.load %arg6[%swap3A_63, %swap3A_64] : memref<40x128xf32, #tpu.memory_space<vmem>>, vector<40x128xf32>
    tpu.vector_store %arg6[%swap3A_63, %swap3A_64], %scan3A_32#5 {strides = array<i32>} : memref<40x128xf32, #tpu.memory_space<vmem>>, vector<40x128xf32>,
    %eq3A_66 = arith.constant 9 : i32
    %eq3A_67 = arith.cmpi eq, %arg0, %eq3A_66 : i32
    %convert_element_type3A_68 = arith.extui %eq3A_67 : i1 to i32
    %cond3A_69 = arith.constant 0 : i32
    %cond3A_70 = arith.cmpi ne, %convert_element_type3A_68, %cond3A_69 : i32
    scf.if %cond3A_70 {
      %get3A_71 = arith.constant 0 : index
      %get3A_72 = arith.constant 0 : index
      %get3A_73 = arith.constant 0 : index
      %get3A_74 = vector.load %arg5[%get3A_71, %get3A_72, %get3A_73] : memref<5x40x128xf32, #tpu.memory_space<vmem>>, vector<1x40x128xf32>
      %get3A_75 = vector.shape_cast %get3A_74 : vector<1x40x128xf32> to vector<40x128xf32>
      %get3A_76 = arith.constant 1 : index
      %get3A_77 = arith.constant 0 : index
      %get3A_78 = arith.constant 0 : index
      %get3A_79 = vector.load %arg5[%get3A_76, %get3A_77, %get3A_78] : memref<5x40x128xf32, #tpu.memory_space<vmem>>, vector<1x40x128xf32>
      %get3A_80 = vector.shape_cast %get3A_79 : vector<1x40x128xf32> to vector<40x128xf32>
      %get3A_81 = arith.constant 2 : index
      %get3A_82 = arith.constant 0 : index
      %get3A_83 = arith.constant 0 : index
      %get3A_84 = vector.load %arg5[%get3A_81, %get3A_82, %get3A_83] : memref<5x40x128xf32, #tpu.memory_space<vmem>>, vector<1x40x128xf32>
      %get3A_85 = vector.shape_cast %get3A_84 : vector<1x40x128xf32> to vector<40x128xf32>
      %get3A_86 = arith.constant 3 : index
      %get3A_87 = arith.constant 0 : index
      %get3A_88 = arith.constant 0 : index
      %get3A_89 = vector.load %arg5[%get3A_86, %get3A_87, %get3A_88] : memref<5x40x128xf32, #tpu.memory_space<vmem>>, vector<1x40x128xf32>
      %get3A_90 = vector.shape_cast %get3A_89 : vector<1x40x128xf32> to vector<40x128xf32>
      %get3A_91 = arith.constant 4 : index
      %get3A_92 = arith.constant 0 : index
      %get3A_93 = arith.constant 0 : index
      %get3A_94 = vector.load %arg5[%get3A_91, %get3A_92, %get3A_93] : memref<5x40x128xf32, #tpu.memory_space<vmem>>, vector<1x40x128xf32>
      %get3A_95 = vector.shape_cast %get3A_94 : vector<1x40x128xf32> to vector<40x128xf32>
      %get3A_96 = arith.constant 0 : index
      %get3A_97 = arith.constant 0 : index
      %get3A_98 = vector.load %arg6[%get3A_96, %get3A_97] : memref<40x128xf32, #tpu.memory_space<vmem>>, vector<40x128xf32>
      %reduce_sum3A = arith.constant dense<0.000000e+00> : vector<128xf32>
      %reduce_sum3A_99 = vector.multi_reduction <add>, %get3A_98, %reduce_sum3A [0] : vector<40x128xf32> to vector<128xf32>
      %broadcast_in_dim3A = vector.shape_cast %reduce_sum3A_99 : vector<128xf32> to vector<1x128xf32>
      %get3A_100 = arith.constant 0 : index
      %get3A_101 = arith.constant 0 : index
      %get3A_102 = vector.load %arg2[%get3A_100, %get3A_101] : memref<1x128xf32, #tpu.memory_space<vmem>>, vector<1x128xf32>
      %slice3A = vector.extract_strided_slice %get3A_75 {offsets = [0, 0], sizes = [1, 128], strides = [1, 1]} : vector<40x128xf32> to vector<1x128xf32>
      %reduce_max3A = arith.constant dense<0xFF800000> : vector<128xf32>
      %reduce_max3A_103 = vector.multi_reduction <maximumf>, %get3A_75, %reduce_max3A [0] : vector<40x128xf32> to vector<128xf32>
      %broadcast_in_dim3A_104 = vector.shape_cast %reduce_max3A_103 : vector<128xf32> to vector<1x128xf32>
      %max3A = arith.maximumf %slice3A, %broadcast_in_dim3A_104 : vector<1x128xf32>
      %reduce_max3A_105 = arith.constant dense<0xFF800000> : vector<128xf32>
      %reduce_max3A_106 = vector.multi_reduction <maximumf>, %get3A_80, %reduce_max3A_105 [0] : vector<40x128xf32> to vector<128xf32>
      %broadcast_in_dim3A_107 = vector.shape_cast %reduce_max3A_106 : vector<128xf32> to vector<1x128xf32>
      %max3A_108 = arith.maximumf %max3A, %broadcast_in_dim3A_107 : vector<1x128xf32>
      %reduce_max3A_109 = arith.constant dense<0xFF800000> : vector<128xf32>
      %reduce_max3A_110 = vector.multi_reduction <maximumf>, %get3A_85, %reduce_max3A_109 [0] : vector<40x128xf32> to vector<128xf32>
      %broadcast_in_dim3A_111 = vector.shape_cast %reduce_max3A_110 : vector<128xf32> to vector<1x128xf32>
      %max3A_112 = arith.maximumf %max3A_108, %broadcast_in_dim3A_111 : vector<1x128xf32>
      %reduce_max3A_113 = arith.constant dense<0xFF800000> : vector<128xf32>
      %reduce_max3A_114 = vector.multi_reduction <maximumf>, %get3A_90, %reduce_max3A_113 [0] : vector<40x128xf32> to vector<128xf32>
      %broadcast_in_dim3A_115 = vector.shape_cast %reduce_max3A_114 : vector<128xf32> to vector<1x128xf32>
      %max3A_116 = arith.maximumf %max3A_112, %broadcast_in_dim3A_115 : vector<1x128xf32>
      %reduce_max3A_117 = arith.constant dense<0xFF800000> : vector<128xf32>
      %reduce_max3A_118 = vector.multi_reduction <maximumf>, %get3A_95, %reduce_max3A_117 [0] : vector<40x128xf32> to vector<128xf32>
      %broadcast_in_dim3A_119 = vector.shape_cast %reduce_max3A_118 : vector<128xf32> to vector<1x128xf32>
      %max3A_120 = arith.maximumf %max3A_116, %broadcast_in_dim3A_119 : vector<1x128xf32>
      %broadcast_in_dim3A_121 = arith.constant 0.000000e+00 : f32
      %broadcast_in_dim3A_122 = vector.broadcast %broadcast_in_dim3A_121 : f32 to vector<1x128xf32>
      %broadcast_in_dim3A_123 = arith.constant 5.000000e+00 : f32
      %broadcast_in_dim3A_124 = vector.broadcast %broadcast_in_dim3A_123 : f32 to vector<1x128xf32>
      %broadcast_in_dim3A_125 = arith.constant 0.000000e+00 : f32
      %broadcast_in_dim3A_126 = vector.broadcast %broadcast_in_dim3A_125 : f32 to vector<1x128xf32>
      %eq3A_127 = vector.broadcast %max3A_120 : vector<1x128xf32> to vector<40x128xf32>
      %eq3A_128 = arith.cmpf oeq, %get3A_75, %eq3A_127 : vector<40x128xf32>
      %jit3A = arith.constant 1.000000e+00 : f32
      %jit3A_129 = arith.constant 0.000000e+00 : f32
      %broadcast_in_dim3A_130 = vector.broadcast %jit3A : f32 to vector<40x128xf32>
      %broadcast_in_dim3A_131 = vector.broadcast %jit3A_129 : f32 to vector<40x128xf32>
      %select_n3A = arith.select %eq3A_128, %broadcast_in_dim3A_130, %broadcast_in_dim3A_131 : vector<40x128xi1>, vector<40x128xf32>
      %reduce_sum3A_132 = arith.constant dense<0.000000e+00> : vector<128xf32>
      %reduce_sum3A_133 = vector.multi_reduction <add>, %select_n3A, %reduce_sum3A_132 [0] : vector<40x128xf32> to vector<128xf32>
      %broadcast_in_dim3A_134 = vector.shape_cast %reduce_sum3A_133 : vector<128xf32> to vector<1x128xf32>
      %add3A = arith.addf %broadcast_in_dim3A_126, %broadcast_in_dim3A_134 : vector<1x128xf32>
      %eq3A_135 = vector.broadcast %max3A_120 : vector<1x128xf32> to vector<40x128xf32>
      %eq3A_136 = arith.cmpf oeq, %get3A_80, %eq3A_135 : vector<40x128xf32>
      %jit3A_137 = arith.constant 1.000000e+00 : f32
      %jit3A_138 = arith.constant 0.000000e+00 : f32
      %broadcast_in_dim3A_139 = vector.broadcast %jit3A_137 : f32 to vector<40x128xf32>
      %broadcast_in_dim3A_140 = vector.broadcast %jit3A_138 : f32 to vector<40x128xf32>
      %select_n3A_141 = arith.select %eq3A_136, %broadcast_in_dim3A_139, %broadcast_in_dim3A_140 : vector<40x128xi1>, vector<40x128xf32>
      %reduce_sum3A_142 = arith.constant dense<0.000000e+00> : vector<128xf32>
      %reduce_sum3A_143 = vector.multi_reduction <add>, %select_n3A_141, %reduce_sum3A_142 [0] : vector<40x128xf32> to vector<128xf32>
      %broadcast_in_dim3A_144 = vector.shape_cast %reduce_sum3A_143 : vector<128xf32> to vector<1x128xf32>
      %add3A_145 = arith.addf %add3A, %broadcast_in_dim3A_144 : vector<1x128xf32>
      %eq3A_146 = vector.broadcast %max3A_120 : vector<1x128xf32> to vector<40x128xf32>
      %eq3A_147 = arith.cmpf oeq, %get3A_85, %eq3A_146 : vector<40x128xf32>
      %jit3A_148 = arith.constant 1.000000e+00 : f32
      %jit3A_149 = arith.constant 0.000000e+00 : f32
      %broadcast_in_dim3A_150 = vector.broadcast %jit3A_148 : f32 to vector<40x128xf32>
      %broadcast_in_dim3A_151 = vector.broadcast %jit3A_149 : f32 to vector<40x128xf32>
      %select_n3A_152 = arith.select %eq3A_147, %broadcast_in_dim3A_150, %broadcast_in_dim3A_151 : vector<40x128xi1>, vector<40x128xf32>
      %reduce_sum3A_153 = arith.constant dense<0.000000e+00> : vector<128xf32>
      %reduce_sum3A_154 = vector.multi_reduction <add>, %select_n3A_152, %reduce_sum3A_153 [0] : vector<40x128xf32> to vector<128xf32>
      %broadcast_in_dim3A_155 = vector.shape_cast %reduce_sum3A_154 : vector<128xf32> to vector<1x128xf32>
      %add3A_156 = arith.addf %add3A_145, %broadcast_in_dim3A_155 : vector<1x128xf32>
      %eq3A_157 = vector.broadcast %max3A_120 : vector<1x128xf32> to vector<40x128xf32>
      %eq3A_158 = arith.cmpf oeq, %get3A_90, %eq3A_157 : vector<40x128xf32>
      %jit3A_159 = arith.constant 1.000000e+00 : f32
      %jit3A_160 = arith.constant 0.000000e+00 : f32
      %broadcast_in_dim3A_161 = vector.broadcast %jit3A_159 : f32 to vector<40x128xf32>
      %broadcast_in_dim3A_162 = vector.broadcast %jit3A_160 : f32 to vector<40x128xf32>
      %select_n3A_163 = arith.select %eq3A_158, %broadcast_in_dim3A_161, %broadcast_in_dim3A_162 : vector<40x128xi1>, vector<40x128xf32>
      %reduce_sum3A_164 = arith.constant dense<0.000000e+00> : vector<128xf32>
      %reduce_sum3A_165 = vector.multi_reduction <add>, %select_n3A_163, %reduce_sum3A_164 [0] : vector<40x128xf32> to vector<128xf32>
      %broadcast_in_dim3A_166 = vector.shape_cast %reduce_sum3A_165 : vector<128xf32> to vector<1x128xf32>
      %add3A_167 = arith.addf %add3A_156, %broadcast_in_dim3A_166 : vector<1x128xf32>
      %eq3A_168 = vector.broadcast %max3A_120 : vector<1x128xf32> to vector<40x128xf32>
      %eq3A_169 = arith.cmpf oeq, %get3A_95, %eq3A_168 : vector<40x128xf32>
      %jit3A_170 = arith.constant 1.000000e+00 : f32
      %jit3A_171 = arith.constant 0.000000e+00 : f32
      %broadcast_in_dim3A_172 = vector.broadcast %jit3A_170 : f32 to vector<40x128xf32>
      %broadcast_in_dim3A_173 = vector.broadcast %jit3A_171 : f32 to vector<40x128xf32>
      %select_n3A_174 = arith.select %eq3A_169, %broadcast_in_dim3A_172, %broadcast_in_dim3A_173 : vector<40x128xi1>, vector<40x128xf32>
      %reduce_sum3A_175 = arith.constant dense<0.000000e+00> : vector<128xf32>
      %reduce_sum3A_176 = vector.multi_reduction <add>, %select_n3A_174, %reduce_sum3A_175 [0] : vector<40x128xf32> to vector<128xf32>
      %broadcast_in_dim3A_177 = vector.shape_cast %reduce_sum3A_176 : vector<128xf32> to vector<1x128xf32>
      %add3A_178 = arith.addf %add3A_167, %broadcast_in_dim3A_177 : vector<1x128xf32>
      %min3A = arith.minimumf %broadcast_in_dim3A_124, %add3A_178 : vector<1x128xf32>
      %sub3A = arith.subf %max3A_120, %get3A_102 : vector<1x128xf32>
      %min3A_179 = arith.constant 8.000000e+01 : f32
      %min3A_180 = vector.broadcast %min3A_179 : f32 to vector<1x128xf32>
      %min3A_181 = arith.minimumf %sub3A, %min3A_180 : vector<1x128xf32>
      %exp3A = math.exp %min3A_181 : vector<1x128xf32>
      %mul3A = arith.mulf %min3A, %exp3A : vector<1x128xf32>
      %add3A_182 = arith.addf %broadcast_in_dim3A_122, %mul3A : vector<1x128xf32>
      %sub3A_183 = arith.subf %broadcast_in_dim3A_124, %min3A : vector<1x128xf32>
      %gt3A = arith.constant 0.000000e+00 : f32
      %gt3A_184 = vector.broadcast %gt3A : f32 to vector<1x128xf32>
      %gt3A_185 = arith.cmpf ogt, %min3A, %gt3A_184 : vector<1x128xf32>
      %select_n3A_186 = arith.select %gt3A_185, %max3A_120, %max3A_120 : vector<1x128xi1>, vector<1x128xf32>
      %broadcast_in_dim3A_187 = arith.constant 0xFF800000 : f32
      %broadcast_in_dim3A_188 = vector.broadcast %broadcast_in_dim3A_187 : f32 to vector<1x128xf32>
      %lt3A = vector.broadcast %max3A_120 : vector<1x128xf32> to vector<40x128xf32>
      %lt3A_189 = arith.cmpf olt, %get3A_75, %lt3A : vector<40x128xf32>
      %jit3A_190 = arith.constant 0xFF800000 : f32
      %broadcast_in_dim3A_191 = vector.broadcast %jit3A_190 : f32 to vector<40x128xf32>
      %select_n3A_192 = arith.select %lt3A_189, %get3A_75, %broadcast_in_dim3A_191 : vector<40x128xi1>, vector<40x128xf32>
      %reduce_max3A_193 = arith.constant dense<0xFF800000> : vector<128xf32>
      %reduce_max3A_194 = vector.multi_reduction <maximumf>, %select_n3A_192, %reduce_max3A_193 [0] : vector<40x128xf32> to vector<128xf32>
      %broadcast_in_dim3A_195 = vector.shape_cast %reduce_max3A_194 : vector<128xf32> to vector<1x128xf32>
      %max3A_196 = arith.maximumf %broadcast_in_dim3A_188, %broadcast_in_dim3A_195 : vector<1x128xf32>
      %lt3A_197 = vector.broadcast %max3A_120 : vector<1x128xf32> to vector<40x128xf32>
      %lt3A_198 = arith.cmpf olt, %get3A_80, %lt3A_197 : vector<40x128xf32>
      %jit3A_199 = arith.constant 0xFF800000 : f32
      %broadcast_in_dim3A_200 = vector.broadcast %jit3A_199 : f32 to vector<40x128xf32>
      %select_n3A_201 = arith.select %lt3A_198, %get3A_80, %broadcast_in_dim3A_200 : vector<40x128xi1>, vector<40x128xf32>
      %reduce_max3A_202 = arith.constant dense<0xFF800000> : vector<128xf32>
      %reduce_max3A_203 = vector.multi_reduction <maximumf>, %select_n3A_201, %reduce_max3A_202 [0] : vector<40x128xf32> to vector<128xf32>
      %broadcast_in_dim3A_204 = vector.shape_cast %reduce_max3A_203 : vector<128xf32> to vector<1x128xf32>
      %max3A_205 = arith.maximumf %max3A_196, %broadcast_in_dim3A_204 : vector<1x128xf32>
      %lt3A_206 = vector.broadcast %max3A_120 : vector<1x128xf32> to vector<40x128xf32>
      %lt3A_207 = arith.cmpf olt, %get3A_85, %lt3A_206 : vector<40x128xf32>
      %jit3A_208 = arith.constant 0xFF800000 : f32
      %broadcast_in_dim3A_209 = vector.broadcast %jit3A_208 : f32 to vector<40x128xf32>
      %select_n3A_210 = arith.select %lt3A_207, %get3A_85, %broadcast_in_dim3A_209 : vector<40x128xi1>, vector<40x128xf32>
      %reduce_max3A_211 = arith.constant dense<0xFF800000> : vector<128xf32>
      %reduce_max3A_212 = vector.multi_reduction <maximumf>, %select_n3A_210, %reduce_max3A_211 [0] : vector<40x128xf32> to vector<128xf32>
      %broadcast_in_dim3A_213 = vector.shape_cast %reduce_max3A_212 : vector<128xf32> to vector<1x128xf32>
      %max3A_214 = arith.maximumf %max3A_205, %broadcast_in_dim3A_213 : vector<1x128xf32>
      %lt3A_215 = vector.broadcast %max3A_120 : vector<1x128xf32> to vector<40x128xf32>
      %lt3A_216 = arith.cmpf olt, %get3A_90, %lt3A_215 : vector<40x128xf32>
      %jit3A_217 = arith.constant 0xFF800000 : f32
      %broadcast_in_dim3A_218 = vector.broadcast %jit3A_217 : f32 to vector<40x128xf32>
      %select_n3A_219 = arith.select %lt3A_216, %get3A_90, %broadcast_in_dim3A_218 : vector<40x128xi1>, vector<40x128xf32>
      %reduce_max3A_220 = arith.constant dense<0xFF800000> : vector<128xf32>
      %reduce_max3A_221 = vector.multi_reduction <maximumf>, %select_n3A_219, %reduce_max3A_220 [0] : vector<40x128xf32> to vector<128xf32>
      %broadcast_in_dim3A_222 = vector.shape_cast %reduce_max3A_221 : vector<128xf32> to vector<1x128xf32>
      %max3A_223 = arith.maximumf %max3A_214, %broadcast_in_dim3A_222 : vector<1x128xf32>
      %lt3A_224 = vector.broadcast %max3A_120 : vector<1x128xf32> to vector<40x128xf32>
      %lt3A_225 = arith.cmpf olt, %get3A_95, %lt3A_224 : vector<40x128xf32>
      %jit3A_226 = arith.constant 0xFF800000 : f32
      %broadcast_in_dim3A_227 = vector.broadcast %jit3A_226 : f32 to vector<40x128xf32>
      %select_n3A_228 = arith.select %lt3A_225, %get3A_95, %broadcast_in_dim3A_227 : vector<40x128xi1>, vector<40x128xf32>
      %reduce_max3A_229 = arith.constant dense<0xFF800000> : vector<128xf32>
      %reduce_max3A_230 = vector.multi_reduction <maximumf>, %select_n3A_228, %reduce_max3A_229 [0] : vector<40x128xf32> to vector<128xf32>
      %broadcast_in_dim3A_231 = vector.shape_cast %reduce_max3A_230 : vector<128xf32> to vector<1x128xf32>
      %max3A_232 = arith.maximumf %max3A_223, %broadcast_in_dim3A_231 : vector<1x128xf32>
      %broadcast_in_dim3A_233 = arith.constant 0.000000e+00 : f32
      %broadcast_in_dim3A_234 = vector.broadcast %broadcast_in_dim3A_233 : f32 to vector<1x128xf32>
      %eq3A_235 = vector.broadcast %max3A_232 : vector<1x128xf32> to vector<40x128xf32>
      %eq3A_236 = arith.cmpf oeq, %get3A_75, %eq3A_235 : vector<40x128xf32>
      %jit3A_237 = arith.constant 1.000000e+00 : f32
      %jit3A_238 = arith.constant 0.000000e+00 : f32
      %broadcast_in_dim3A_239 = vector.broadcast %jit3A_237 : f32 to vector<40x128xf32>
      %broadcast_in_dim3A_240 = vector.broadcast %jit3A_238 : f32 to vector<40x128xf32>
      %select_n3A_241 = arith.select %eq3A_236, %broadcast_in_dim3A_239, %broadcast_in_dim3A_240 : vector<40x128xi1>, vector<40x128xf32>
      %reduce_sum3A_242 = arith.constant dense<0.000000e+00> : vector<128xf32>
      %reduce_sum3A_243 = vector.multi_reduction <add>, %select_n3A_241, %reduce_sum3A_242 [0] : vector<40x128xf32> to vector<128xf32>
      %broadcast_in_dim3A_244 = vector.shape_cast %reduce_sum3A_243 : vector<128xf32> to vector<1x128xf32>
      %add3A_245 = arith.addf %broadcast_in_dim3A_234, %broadcast_in_dim3A_244 : vector<1x128xf32>
      %eq3A_246 = vector.broadcast %max3A_232 : vector<1x128xf32> to vector<40x128xf32>
      %eq3A_247 = arith.cmpf oeq, %get3A_80, %eq3A_246 : vector<40x128xf32>
      %jit3A_248 = arith.constant 1.000000e+00 : f32
      %jit3A_249 = arith.constant 0.000000e+00 : f32
      %broadcast_in_dim3A_250 = vector.broadcast %jit3A_248 : f32 to vector<40x128xf32>
      %broadcast_in_dim3A_251 = vector.broadcast %jit3A_249 : f32 to vector<40x128xf32>
      %select_n3A_252 = arith.select %eq3A_247, %broadcast_in_dim3A_250, %broadcast_in_dim3A_251 : vector<40x128xi1>, vector<40x128xf32>
      %reduce_sum3A_253 = arith.constant dense<0.000000e+00> : vector<128xf32>
      %reduce_sum3A_254 = vector.multi_reduction <add>, %select_n3A_252, %reduce_sum3A_253 [0] : vector<40x128xf32> to vector<128xf32>
      %broadcast_in_dim3A_255 = vector.shape_cast %reduce_sum3A_254 : vector<128xf32> to vector<1x128xf32>
      %add3A_256 = arith.addf %add3A_245, %broadcast_in_dim3A_255 : vector<1x128xf32>
      %eq3A_257 = vector.broadcast %max3A_232 : vector<1x128xf32> to vector<40x128xf32>
      %eq3A_258 = arith.cmpf oeq, %get3A_85, %eq3A_257 : vector<40x128xf32>
      %jit3A_259 = arith.constant 1.000000e+00 : f32
      %jit3A_260 = arith.constant 0.000000e+00 : f32
      %broadcast_in_dim3A_261 = vector.broadcast %jit3A_259 : f32 to vector<40x128xf32>
      %broadcast_in_dim3A_262 = vector.broadcast %jit3A_260 : f32 to vector<40x128xf32>
      %select_n3A_263 = arith.select %eq3A_258, %broadcast_in_dim3A_261, %broadcast_in_dim3A_262 : vector<40x128xi1>, vector<40x128xf32>
      %reduce_sum3A_264 = arith.constant dense<0.000000e+00> : vector<128xf32>
      %reduce_sum3A_265 = vector.multi_reduction <add>, %select_n3A_263, %reduce_sum3A_264 [0] : vector<40x128xf32> to vector<128xf32>
      %broadcast_in_dim3A_266 = vector.shape_cast %reduce_sum3A_265 : vector<128xf32> to vector<1x128xf32>
      %add3A_267 = arith.addf %add3A_256, %broadcast_in_dim3A_266 : vector<1x128xf32>
      %eq3A_268 = vector.broadcast %max3A_232 : vector<1x128xf32> to vector<40x128xf32>
      %eq3A_269 = arith.cmpf oeq, %get3A_90, %eq3A_268 : vector<40x128xf32>
      %jit3A_270 = arith.constant 1.000000e+00 : f32
      %jit3A_271 = arith.constant 0.000000e+00 : f32
      %broadcast_in_dim3A_272 = vector.broadcast %jit3A_270 : f32 to vector<40x128xf32>
      %broadcast_in_dim3A_273 = vector.broadcast %jit3A_271 : f32 to vector<40x128xf32>
      %select_n3A_274 = arith.select %eq3A_269, %broadcast_in_dim3A_272, %broadcast_in_dim3A_273 : vector<40x128xi1>, vector<40x128xf32>
      %reduce_sum3A_275 = arith.constant dense<0.000000e+00> : vector<128xf32>
      %reduce_sum3A_276 = vector.multi_reduction <add>, %select_n3A_274, %reduce_sum3A_275 [0] : vector<40x128xf32> to vector<128xf32>
      %broadcast_in_dim3A_277 = vector.shape_cast %reduce_sum3A_276 : vector<128xf32> to vector<1x128xf32>
      %add3A_278 = arith.addf %add3A_267, %broadcast_in_dim3A_277 : vector<1x128xf32>
      %eq3A_279 = vector.broadcast %max3A_232 : vector<1x128xf32> to vector<40x128xf32>
      %eq3A_280 = arith.cmpf oeq, %get3A_95, %eq3A_279 : vector<40x128xf32>
      %jit3A_281 = arith.constant 1.000000e+00 : f32
      %jit3A_282 = arith.constant 0.000000e+00 : f32
      %broadcast_in_dim3A_283 = vector.broadcast %jit3A_281 : f32 to vector<40x128xf32>
      %broadcast_in_dim3A_284 = vector.broadcast %jit3A_282 : f32 to vector<40x128xf32>
      %select_n3A_285 = arith.select %eq3A_280, %broadcast_in_dim3A_283, %broadcast_in_dim3A_284 : vector<40x128xi1>, vector<40x128xf32>
      %reduce_sum3A_286 = arith.constant dense<0.000000e+00> : vector<128xf32>
      %reduce_sum3A_287 = vector.multi_reduction <add>, %select_n3A_285, %reduce_sum3A_286 [0] : vector<40x128xf32> to vector<128xf32>
      %broadcast_in_dim3A_288 = vector.shape_cast %reduce_sum3A_287 : vector<128xf32> to vector<1x128xf32>
      %add3A_289 = arith.addf %add3A_278, %broadcast_in_dim3A_288 : vector<1x128xf32>
      %min3A_290 = arith.minimumf %sub3A_183, %add3A_289 : vector<1x128xf32>
      %sub3A_291 = arith.subf %max3A_232, %get3A_102 : vector<1x128xf32>
      %min3A_292 = arith.constant 8.000000e+01 : f32
      %min3A_293 = vector.broadcast %min3A_292 : f32 to vector<1x128xf32>
      %min3A_294 = arith.minimumf %sub3A_291, %min3A_293 : vector<1x128xf32>
      %exp3A_295 = math.exp %min3A_294 : vector<1x128xf32>
      %mul3A_296 = arith.mulf %min3A_290, %exp3A_295 : vector<1x128xf32>
      %add3A_297 = arith.addf %add3A_182, %mul3A_296 : vector<1x128xf32>
      %sub3A_298 = arith.subf %sub3A_183, %min3A_290 : vector<1x128xf32>
      %gt3A_299 = arith.constant 0.000000e+00 : f32
      %gt3A_300 = vector.broadcast %gt3A_299 : f32 to vector<1x128xf32>
      %gt3A_301 = arith.cmpf ogt, %min3A_290, %gt3A_300 : vector<1x128xf32>
      %select_n3A_302 = arith.select %gt3A_301, %max3A_232, %select_n3A_186 : vector<1x128xi1>, vector<1x128xf32>
      %broadcast_in_dim3A_303 = arith.constant 0xFF800000 : f32
      %broadcast_in_dim3A_304 = vector.broadcast %broadcast_in_dim3A_303 : f32 to vector<1x128xf32>
      %lt3A_305 = vector.broadcast %max3A_232 : vector<1x128xf32> to vector<40x128xf32>
      %lt3A_306 = arith.cmpf olt, %get3A_75, %lt3A_305 : vector<40x128xf32>
      %jit3A_307 = arith.constant 0xFF800000 : f32
      %broadcast_in_dim3A_308 = vector.broadcast %jit3A_307 : f32 to vector<40x128xf32>
      %select_n3A_309 = arith.select %lt3A_306, %get3A_75, %broadcast_in_dim3A_308 : vector<40x128xi1>, vector<40x128xf32>
      %reduce_max3A_310 = arith.constant dense<0xFF800000> : vector<128xf32>
      %reduce_max3A_311 = vector.multi_reduction <maximumf>, %select_n3A_309, %reduce_max3A_310 [0] : vector<40x128xf32> to vector<128xf32>
      %broadcast_in_dim3A_312 = vector.shape_cast %reduce_max3A_311 : vector<128xf32> to vector<1x128xf32>
      %max3A_313 = arith.maximumf %broadcast_in_dim3A_304, %broadcast_in_dim3A_312 : vector<1x128xf32>
      %lt3A_314 = vector.broadcast %max3A_232 : vector<1x128xf32> to vector<40x128xf32>
      %lt3A_315 = arith.cmpf olt, %get3A_80, %lt3A_314 : vector<40x128xf32>
      %jit3A_316 = arith.constant 0xFF800000 : f32
      %broadcast_in_dim3A_317 = vector.broadcast %jit3A_316 : f32 to vector<40x128xf32>
      %select_n3A_318 = arith.select %lt3A_315, %get3A_80, %broadcast_in_dim3A_317 : vector<40x128xi1>, vector<40x128xf32>
      %reduce_max3A_319 = arith.constant dense<0xFF800000> : vector<128xf32>
      %reduce_max3A_320 = vector.multi_reduction <maximumf>, %select_n3A_318, %reduce_max3A_319 [0] : vector<40x128xf32> to vector<128xf32>
      %broadcast_in_dim3A_321 = vector.shape_cast %reduce_max3A_320 : vector<128xf32> to vector<1x128xf32>
      %max3A_322 = arith.maximumf %max3A_313, %broadcast_in_dim3A_321 : vector<1x128xf32>
      %lt3A_323 = vector.broadcast %max3A_232 : vector<1x128xf32> to vector<40x128xf32>
      %lt3A_324 = arith.cmpf olt, %get3A_85, %lt3A_323 : vector<40x128xf32>
      %jit3A_325 = arith.constant 0xFF800000 : f32
      %broadcast_in_dim3A_326 = vector.broadcast %jit3A_325 : f32 to vector<40x128xf32>
      %select_n3A_327 = arith.select %lt3A_324, %get3A_85, %broadcast_in_dim3A_326 : vector<40x128xi1>, vector<40x128xf32>
      %reduce_max3A_328 = arith.constant dense<0xFF800000> : vector<128xf32>
      %reduce_max3A_329 = vector.multi_reduction <maximumf>, %select_n3A_327, %reduce_max3A_328 [0] : vector<40x128xf32> to vector<128xf32>
      %broadcast_in_dim3A_330 = vector.shape_cast %reduce_max3A_329 : vector<128xf32> to vector<1x128xf32>
      %max3A_331 = arith.maximumf %max3A_322, %broadcast_in_dim3A_330 : vector<1x128xf32>
      %lt3A_332 = vector.broadcast %max3A_232 : vector<1x128xf32> to vector<40x128xf32>
      %lt3A_333 = arith.cmpf olt, %get3A_90, %lt3A_332 : vector<40x128xf32>
      %jit3A_334 = arith.constant 0xFF800000 : f32
      %broadcast_in_dim3A_335 = vector.broadcast %jit3A_334 : f32 to vector<40x128xf32>
      %select_n3A_336 = arith.select %lt3A_333, %get3A_90, %broadcast_in_dim3A_335 : vector<40x128xi1>, vector<40x128xf32>
      %reduce_max3A_337 = arith.constant dense<0xFF800000> : vector<128xf32>
      %reduce_max3A_338 = vector.multi_reduction <maximumf>, %select_n3A_336, %reduce_max3A_337 [0] : vector<40x128xf32> to vector<128xf32>
      %broadcast_in_dim3A_339 = vector.shape_cast %reduce_max3A_338 : vector<128xf32> to vector<1x128xf32>
      %max3A_340 = arith.maximumf %max3A_331, %broadcast_in_dim3A_339 : vector<1x128xf32>
      %lt3A_341 = vector.broadcast %max3A_232 : vector<1x128xf32> to vector<40x128xf32>
      %lt3A_342 = arith.cmpf olt, %get3A_95, %lt3A_341 : vector<40x128xf32>
      %jit3A_343 = arith.constant 0xFF800000 : f32
      %broadcast_in_dim3A_344 = vector.broadcast %jit3A_343 : f32 to vector<40x128xf32>
      %select_n3A_345 = arith.select %lt3A_342, %get3A_95, %broadcast_in_dim3A_344 : vector<40x128xi1>, vector<40x128xf32>
      %reduce_max3A_346 = arith.constant dense<0xFF800000> : vector<128xf32>
      %reduce_max3A_347 = vector.multi_reduction <maximumf>, %select_n3A_345, %reduce_max3A_346 [0] : vector<40x128xf32> to vector<128xf32>
      %broadcast_in_dim3A_348 = vector.shape_cast %reduce_max3A_347 : vector<128xf32> to vector<1x128xf32>
      %max3A_349 = arith.maximumf %max3A_340, %broadcast_in_dim3A_348 : vector<1x128xf32>
      %broadcast_in_dim3A_350 = arith.constant 0.000000e+00 : f32
      %broadcast_in_dim3A_351 = vector.broadcast %broadcast_in_dim3A_350 : f32 to vector<1x128xf32>
      %eq3A_352 = vector.broadcast %max3A_349 : vector<1x128xf32> to vector<40x128xf32>
      %eq3A_353 = arith.cmpf oeq, %get3A_75, %eq3A_352 : vector<40x128xf32>
      %jit3A_354 = arith.constant 1.000000e+00 : f32
      %jit3A_355 = arith.constant 0.000000e+00 : f32
      %broadcast_in_dim3A_356 = vector.broadcast %jit3A_354 : f32 to vector<40x128xf32>
      %broadcast_in_dim3A_357 = vector.broadcast %jit3A_355 : f32 to vector<40x128xf32>
      %select_n3A_358 = arith.select %eq3A_353, %broadcast_in_dim3A_356, %broadcast_in_dim3A_357 : vector<40x128xi1>, vector<40x128xf32>
      %reduce_sum3A_359 = arith.constant dense<0.000000e+00> : vector<128xf32>
      %reduce_sum3A_360 = vector.multi_reduction <add>, %select_n3A_358, %reduce_sum3A_359 [0] : vector<40x128xf32> to vector<128xf32>
      %broadcast_in_dim3A_361 = vector.shape_cast %reduce_sum3A_360 : vector<128xf32> to vector<1x128xf32>
      %add3A_362 = arith.addf %broadcast_in_dim3A_351, %broadcast_in_dim3A_361 : vector<1x128xf32>
      %eq3A_363 = vector.broadcast %max3A_349 : vector<1x128xf32> to vector<40x128xf32>
      %eq3A_364 = arith.cmpf oeq, %get3A_80, %eq3A_363 : vector<40x128xf32>
      %jit3A_365 = arith.constant 1.000000e+00 : f32
      %jit3A_366 = arith.constant 0.000000e+00 : f32
      %broadcast_in_dim3A_367 = vector.broadcast %jit3A_365 : f32 to vector<40x128xf32>
      %broadcast_in_dim3A_368 = vector.broadcast %jit3A_366 : f32 to vector<40x128xf32>
      %select_n3A_369 = arith.select %eq3A_364, %broadcast_in_dim3A_367, %broadcast_in_dim3A_368 : vector<40x128xi1>, vector<40x128xf32>
      %reduce_sum3A_370 = arith.constant dense<0.000000e+00> : vector<128xf32>
      %reduce_sum3A_371 = vector.multi_reduction <add>, %select_n3A_369, %reduce_sum3A_370 [0] : vector<40x128xf32> to vector<128xf32>
      %broadcast_in_dim3A_372 = vector.shape_cast %reduce_sum3A_371 : vector<128xf32> to vector<1x128xf32>
      %add3A_373 = arith.addf %add3A_362, %broadcast_in_dim3A_372 : vector<1x128xf32>
      %eq3A_374 = vector.broadcast %max3A_349 : vector<1x128xf32> to vector<40x128xf32>
      %eq3A_375 = arith.cmpf oeq, %get3A_85, %eq3A_374 : vector<40x128xf32>
      %jit3A_376 = arith.constant 1.000000e+00 : f32
      %jit3A_377 = arith.constant 0.000000e+00 : f32
      %broadcast_in_dim3A_378 = vector.broadcast %jit3A_376 : f32 to vector<40x128xf32>
      %broadcast_in_dim3A_379 = vector.broadcast %jit3A_377 : f32 to vector<40x128xf32>
      %select_n3A_380 = arith.select %eq3A_375, %broadcast_in_dim3A_378, %broadcast_in_dim3A_379 : vector<40x128xi1>, vector<40x128xf32>
      %reduce_sum3A_381 = arith.constant dense<0.000000e+00> : vector<128xf32>
      %reduce_sum3A_382 = vector.multi_reduction <add>, %select_n3A_380, %reduce_sum3A_381 [0] : vector<40x128xf32> to vector<128xf32>
      %broadcast_in_dim3A_383 = vector.shape_cast %reduce_sum3A_382 : vector<128xf32> to vector<1x128xf32>
      %add3A_384 = arith.addf %add3A_373, %broadcast_in_dim3A_383 : vector<1x128xf32>
      %eq3A_385 = vector.broadcast %max3A_349 : vector<1x128xf32> to vector<40x128xf32>
      %eq3A_386 = arith.cmpf oeq, %get3A_90, %eq3A_385 : vector<40x128xf32>
      %jit3A_387 = arith.constant 1.000000e+00 : f32
      %jit3A_388 = arith.constant 0.000000e+00 : f32
      %broadcast_in_dim3A_389 = vector.broadcast %jit3A_387 : f32 to vector<40x128xf32>
      %broadcast_in_dim3A_390 = vector.broadcast %jit3A_388 : f32 to vector<40x128xf32>
      %select_n3A_391 = arith.select %eq3A_386, %broadcast_in_dim3A_389, %broadcast_in_dim3A_390 : vector<40x128xi1>, vector<40x128xf32>
      %reduce_sum3A_392 = arith.constant dense<0.000000e+00> : vector<128xf32>
      %reduce_sum3A_393 = vector.multi_reduction <add>, %select_n3A_391, %reduce_sum3A_392 [0] : vector<40x128xf32> to vector<128xf32>
      %broadcast_in_dim3A_394 = vector.shape_cast %reduce_sum3A_393 : vector<128xf32> to vector<1x128xf32>
      %add3A_395 = arith.addf %add3A_384, %broadcast_in_dim3A_394 : vector<1x128xf32>
      %eq3A_396 = vector.broadcast %max3A_349 : vector<1x128xf32> to vector<40x128xf32>
      %eq3A_397 = arith.cmpf oeq, %get3A_95, %eq3A_396 : vector<40x128xf32>
      %jit3A_398 = arith.constant 1.000000e+00 : f32
      %jit3A_399 = arith.constant 0.000000e+00 : f32
      %broadcast_in_dim3A_400 = vector.broadcast %jit3A_398 : f32 to vector<40x128xf32>
      %broadcast_in_dim3A_401 = vector.broadcast %jit3A_399 : f32 to vector<40x128xf32>
      %select_n3A_402 = arith.select %eq3A_397, %broadcast_in_dim3A_400, %broadcast_in_dim3A_401 : vector<40x128xi1>, vector<40x128xf32>
      %reduce_sum3A_403 = arith.constant dense<0.000000e+00> : vector<128xf32>
      %reduce_sum3A_404 = vector.multi_reduction <add>, %select_n3A_402, %reduce_sum3A_403 [0] : vector<40x128xf32> to vector<128xf32>
      %broadcast_in_dim3A_405 = vector.shape_cast %reduce_sum3A_404 : vector<128xf32> to vector<1x128xf32>
      %add3A_406 = arith.addf %add3A_395, %broadcast_in_dim3A_405 : vector<1x128xf32>
      %min3A_407 = arith.minimumf %sub3A_298, %add3A_406 : vector<1x128xf32>
      %sub3A_408 = arith.subf %max3A_349, %get3A_102 : vector<1x128xf32>
      %min3A_409 = arith.constant 8.000000e+01 : f32
      %min3A_410 = vector.broadcast %min3A_409 : f32 to vector<1x128xf32>
      %min3A_411 = arith.minimumf %sub3A_408, %min3A_410 : vector<1x128xf32>
      %exp3A_412 = math.exp %min3A_411 : vector<1x128xf32>
      %mul3A_413 = arith.mulf %min3A_407, %exp3A_412 : vector<1x128xf32>
      %add3A_414 = arith.addf %add3A_297, %mul3A_413 : vector<1x128xf32>
      %sub3A_415 = arith.subf %sub3A_298, %min3A_407 : vector<1x128xf32>
      %gt3A_416 = arith.constant 0.000000e+00 : f32
      %gt3A_417 = vector.broadcast %gt3A_416 : f32 to vector<1x128xf32>
      %gt3A_418 = arith.cmpf ogt, %min3A_407, %gt3A_417 : vector<1x128xf32>
      %select_n3A_419 = arith.select %gt3A_418, %max3A_349, %select_n3A_302 : vector<1x128xi1>, vector<1x128xf32>
      %broadcast_in_dim3A_420 = arith.constant 0xFF800000 : f32
      %broadcast_in_dim3A_421 = vector.broadcast %broadcast_in_dim3A_420 : f32 to vector<1x128xf32>
      %lt3A_422 = vector.broadcast %max3A_349 : vector<1x128xf32> to vector<40x128xf32>
      %lt3A_423 = arith.cmpf olt, %get3A_75, %lt3A_422 : vector<40x128xf32>
      %jit3A_424 = arith.constant 0xFF800000 : f32
      %broadcast_in_dim3A_425 = vector.broadcast %jit3A_424 : f32 to vector<40x128xf32>
      %select_n3A_426 = arith.select %lt3A_423, %get3A_75, %broadcast_in_dim3A_425 : vector<40x128xi1>, vector<40x128xf32>
      %reduce_max3A_427 = arith.constant dense<0xFF800000> : vector<128xf32>
      %reduce_max3A_428 = vector.multi_reduction <maximumf>, %select_n3A_426, %reduce_max3A_427 [0] : vector<40x128xf32> to vector<128xf32>
      %broadcast_in_dim3A_429 = vector.shape_cast %reduce_max3A_428 : vector<128xf32> to vector<1x128xf32>
      %max3A_430 = arith.maximumf %broadcast_in_dim3A_421, %broadcast_in_dim3A_429 : vector<1x128xf32>
      %lt3A_431 = vector.broadcast %max3A_349 : vector<1x128xf32> to vector<40x128xf32>
      %lt3A_432 = arith.cmpf olt, %get3A_80, %lt3A_431 : vector<40x128xf32>
      %jit3A_433 = arith.constant 0xFF800000 : f32
      %broadcast_in_dim3A_434 = vector.broadcast %jit3A_433 : f32 to vector<40x128xf32>
      %select_n3A_435 = arith.select %lt3A_432, %get3A_80, %broadcast_in_dim3A_434 : vector<40x128xi1>, vector<40x128xf32>
      %reduce_max3A_436 = arith.constant dense<0xFF800000> : vector<128xf32>
      %reduce_max3A_437 = vector.multi_reduction <maximumf>, %select_n3A_435, %reduce_max3A_436 [0] : vector<40x128xf32> to vector<128xf32>
      %broadcast_in_dim3A_438 = vector.shape_cast %reduce_max3A_437 : vector<128xf32> to vector<1x128xf32>
      %max3A_439 = arith.maximumf %max3A_430, %broadcast_in_dim3A_438 : vector<1x128xf32>
      %lt3A_440 = vector.broadcast %max3A_349 : vector<1x128xf32> to vector<40x128xf32>
      %lt3A_441 = arith.cmpf olt, %get3A_85, %lt3A_440 : vector<40x128xf32>
      %jit3A_442 = arith.constant 0xFF800000 : f32
      %broadcast_in_dim3A_443 = vector.broadcast %jit3A_442 : f32 to vector<40x128xf32>
      %select_n3A_444 = arith.select %lt3A_441, %get3A_85, %broadcast_in_dim3A_443 : vector<40x128xi1>, vector<40x128xf32>
      %reduce_max3A_445 = arith.constant dense<0xFF800000> : vector<128xf32>
      %reduce_max3A_446 = vector.multi_reduction <maximumf>, %select_n3A_444, %reduce_max3A_445 [0] : vector<40x128xf32> to vector<128xf32>
      %broadcast_in_dim3A_447 = vector.shape_cast %reduce_max3A_446 : vector<128xf32> to vector<1x128xf32>
      %max3A_448 = arith.maximumf %max3A_439, %broadcast_in_dim3A_447 : vector<1x128xf32>
      %lt3A_449 = vector.broadcast %max3A_349 : vector<1x128xf32> to vector<40x128xf32>
      %lt3A_450 = arith.cmpf olt, %get3A_90, %lt3A_449 : vector<40x128xf32>
      %jit3A_451 = arith.constant 0xFF800000 : f32
      %broadcast_in_dim3A_452 = vector.broadcast %jit3A_451 : f32 to vector<40x128xf32>
      %select_n3A_453 = arith.select %lt3A_450, %get3A_90, %broadcast_in_dim3A_452 : vector<40x128xi1>, vector<40x128xf32>
      %reduce_max3A_454 = arith.constant dense<0xFF800000> : vector<128xf32>
      %reduce_max3A_455 = vector.multi_reduction <maximumf>, %select_n3A_453, %reduce_max3A_454 [0] : vector<40x128xf32> to vector<128xf32>
      %broadcast_in_dim3A_456 = vector.shape_cast %reduce_max3A_455 : vector<128xf32> to vector<1x128xf32>
      %max3A_457 = arith.maximumf %max3A_448, %broadcast_in_dim3A_456 : vector<1x128xf32>
      %lt3A_458 = vector.broadcast %max3A_349 : vector<1x128xf32> to vector<40x128xf32>
      %lt3A_459 = arith.cmpf olt, %get3A_95, %lt3A_458 : vector<40x128xf32>
      %jit3A_460 = arith.constant 0xFF800000 : f32
      %broadcast_in_dim3A_461 = vector.broadcast %jit3A_460 : f32 to vector<40x128xf32>
      %select_n3A_462 = arith.select %lt3A_459, %get3A_95, %broadcast_in_dim3A_461 : vector<40x128xi1>, vector<40x128xf32>
      %reduce_max3A_463 = arith.constant dense<0xFF800000> : vector<128xf32>
      %reduce_max3A_464 = vector.multi_reduction <maximumf>, %select_n3A_462, %reduce_max3A_463 [0] : vector<40x128xf32> to vector<128xf32>
      %broadcast_in_dim3A_465 = vector.shape_cast %reduce_max3A_464 : vector<128xf32> to vector<1x128xf32>
      %max3A_466 = arith.maximumf %max3A_457, %broadcast_in_dim3A_465 : vector<1x128xf32>
      %broadcast_in_dim3A_467 = arith.constant 0.000000e+00 : f32
      %broadcast_in_dim3A_468 = vector.broadcast %broadcast_in_dim3A_467 : f32 to vector<1x128xf32>
      %eq3A_469 = vector.broadcast %max3A_466 : vector<1x128xf32> to vector<40x128xf32>
      %eq3A_470 = arith.cmpf oeq, %get3A_75, %eq3A_469 : vector<40x128xf32>
      %jit3A_471 = arith.constant 1.000000e+00 : f32
      %jit3A_472 = arith.constant 0.000000e+00 : f32
      %broadcast_in_dim3A_473 = vector.broadcast %jit3A_471 : f32 to vector<40x128xf32>
      %broadcast_in_dim3A_474 = vector.broadcast %jit3A_472 : f32 to vector<40x128xf32>
      %select_n3A_475 = arith.select %eq3A_470, %broadcast_in_dim3A_473, %broadcast_in_dim3A_474 : vector<40x128xi1>, vector<40x128xf32>
      %reduce_sum3A_476 = arith.constant dense<0.000000e+00> : vector<128xf32>
      %reduce_sum3A_477 = vector.multi_reduction <add>, %select_n3A_475, %reduce_sum3A_476 [0] : vector<40x128xf32> to vector<128xf32>
      %broadcast_in_dim3A_478 = vector.shape_cast %reduce_sum3A_477 : vector<128xf32> to vector<1x128xf32>
      %add3A_479 = arith.addf %broadcast_in_dim3A_468, %broadcast_in_dim3A_478 : vector<1x128xf32>
      %eq3A_480 = vector.broadcast %max3A_466 : vector<1x128xf32> to vector<40x128xf32>
      %eq3A_481 = arith.cmpf oeq, %get3A_80, %eq3A_480 : vector<40x128xf32>
      %jit3A_482 = arith.constant 1.000000e+00 : f32
      %jit3A_483 = arith.constant 0.000000e+00 : f32
      %broadcast_in_dim3A_484 = vector.broadcast %jit3A_482 : f32 to vector<40x128xf32>
      %broadcast_in_dim3A_485 = vector.broadcast %jit3A_483 : f32 to vector<40x128xf32>
      %select_n3A_486 = arith.select %eq3A_481, %broadcast_in_dim3A_484, %broadcast_in_dim3A_485 : vector<40x128xi1>, vector<40x128xf32>
      %reduce_sum3A_487 = arith.constant dense<0.000000e+00> : vector<128xf32>
      %reduce_sum3A_488 = vector.multi_reduction <add>, %select_n3A_486, %reduce_sum3A_487 [0] : vector<40x128xf32> to vector<128xf32>
      %broadcast_in_dim3A_489 = vector.shape_cast %reduce_sum3A_488 : vector<128xf32> to vector<1x128xf32>
      %add3A_490 = arith.addf %add3A_479, %broadcast_in_dim3A_489 : vector<1x128xf32>
      %eq3A_491 = vector.broadcast %max3A_466 : vector<1x128xf32> to vector<40x128xf32>
      %eq3A_492 = arith.cmpf oeq, %get3A_85, %eq3A_491 : vector<40x128xf32>
      %jit3A_493 = arith.constant 1.000000e+00 : f32
      %jit3A_494 = arith.constant 0.000000e+00 : f32
      %broadcast_in_dim3A_495 = vector.broadcast %jit3A_493 : f32 to vector<40x128xf32>
      %broadcast_in_dim3A_496 = vector.broadcast %jit3A_494 : f32 to vector<40x128xf32>
      %select_n3A_497 = arith.select %eq3A_492, %broadcast_in_dim3A_495, %broadcast_in_dim3A_496 : vector<40x128xi1>, vector<40x128xf32>
      %reduce_sum3A_498 = arith.constant dense<0.000000e+00> : vector<128xf32>
      %reduce_sum3A_499 = vector.multi_reduction <add>, %select_n3A_497, %reduce_sum3A_498 [0] : vector<40x128xf32> to vector<128xf32>
      %broadcast_in_dim3A_500 = vector.shape_cast %reduce_sum3A_499 : vector<128xf32> to vector<1x128xf32>
      %add3A_501 = arith.addf %add3A_490, %broadcast_in_dim3A_500 : vector<1x128xf32>
      %eq3A_502 = vector.broadcast %max3A_466 : vector<1x128xf32> to vector<40x128xf32>
      %eq3A_503 = arith.cmpf oeq, %get3A_90, %eq3A_502 : vector<40x128xf32>
      %jit3A_504 = arith.constant 1.000000e+00 : f32
      %jit3A_505 = arith.constant 0.000000e+00 : f32
      %broadcast_in_dim3A_506 = vector.broadcast %jit3A_504 : f32 to vector<40x128xf32>
      %broadcast_in_dim3A_507 = vector.broadcast %jit3A_505 : f32 to vector<40x128xf32>
      %select_n3A_508 = arith.select %eq3A_503, %broadcast_in_dim3A_506, %broadcast_in_dim3A_507 : vector<40x128xi1>, vector<40x128xf32>
      %reduce_sum3A_509 = arith.constant dense<0.000000e+00> : vector<128xf32>
      %reduce_sum3A_510 = vector.multi_reduction <add>, %select_n3A_508, %reduce_sum3A_509 [0] : vector<40x128xf32> to vector<128xf32>
      %broadcast_in_dim3A_511 = vector.shape_cast %reduce_sum3A_510 : vector<128xf32> to vector<1x128xf32>
      %add3A_512 = arith.addf %add3A_501, %broadcast_in_dim3A_511 : vector<1x128xf32>
      %eq3A_513 = vector.broadcast %max3A_466 : vector<1x128xf32> to vector<40x128xf32>
      %eq3A_514 = arith.cmpf oeq, %get3A_95, %eq3A_513 : vector<40x128xf32>
      %jit3A_515 = arith.constant 1.000000e+00 : f32
      %jit3A_516 = arith.constant 0.000000e+00 : f32
      %broadcast_in_dim3A_517 = vector.broadcast %jit3A_515 : f32 to vector<40x128xf32>
      %broadcast_in_dim3A_518 = vector.broadcast %jit3A_516 : f32 to vector<40x128xf32>
      %select_n3A_519 = arith.select %eq3A_514, %broadcast_in_dim3A_517, %broadcast_in_dim3A_518 : vector<40x128xi1>, vector<40x128xf32>
      %reduce_sum3A_520 = arith.constant dense<0.000000e+00> : vector<128xf32>
      %reduce_sum3A_521 = vector.multi_reduction <add>, %select_n3A_519, %reduce_sum3A_520 [0] : vector<40x128xf32> to vector<128xf32>
      %broadcast_in_dim3A_522 = vector.shape_cast %reduce_sum3A_521 : vector<128xf32> to vector<1x128xf32>
      %add3A_523 = arith.addf %add3A_512, %broadcast_in_dim3A_522 : vector<1x128xf32>
      %min3A_524 = arith.minimumf %sub3A_415, %add3A_523 : vector<1x128xf32>
      %sub3A_525 = arith.subf %max3A_466, %get3A_102 : vector<1x128xf32>
      %min3A_526 = arith.constant 8.000000e+01 : f32
      %min3A_527 = vector.broadcast %min3A_526 : f32 to vector<1x128xf32>
      %min3A_528 = arith.minimumf %sub3A_525, %min3A_527 : vector<1x128xf32>
      %exp3A_529 = math.exp %min3A_528 : vector<1x128xf32>
      %mul3A_530 = arith.mulf %min3A_524, %exp3A_529 : vector<1x128xf32>
      %add3A_531 = arith.addf %add3A_414, %mul3A_530 : vector<1x128xf32>
      %sub3A_532 = arith.subf %sub3A_415, %min3A_524 : vector<1x128xf32>
      %gt3A_533 = arith.constant 0.000000e+00 : f32
      %gt3A_534 = vector.broadcast %gt3A_533 : f32 to vector<1x128xf32>
      %gt3A_535 = arith.cmpf ogt, %min3A_524, %gt3A_534 : vector<1x128xf32>
      %select_n3A_536 = arith.select %gt3A_535, %max3A_466, %select_n3A_419 : vector<1x128xi1>, vector<1x128xf32>
      %broadcast_in_dim3A_537 = arith.constant 0xFF800000 : f32
      %broadcast_in_dim3A_538 = vector.broadcast %broadcast_in_dim3A_537 : f32 to vector<1x128xf32>
      %lt3A_539 = vector.broadcast %max3A_466 : vector<1x128xf32> to vector<40x128xf32>
      %lt3A_540 = arith.cmpf olt, %get3A_75, %lt3A_539 : vector<40x128xf32>
      %jit3A_541 = arith.constant 0xFF800000 : f32
      %broadcast_in_dim3A_542 = vector.broadcast %jit3A_541 : f32 to vector<40x128xf32>
      %select_n3A_543 = arith.select %lt3A_540, %get3A_75, %broadcast_in_dim3A_542 : vector<40x128xi1>, vector<40x128xf32>
      %reduce_max3A_544 = arith.constant dense<0xFF800000> : vector<128xf32>
      %reduce_max3A_545 = vector.multi_reduction <maximumf>, %select_n3A_543, %reduce_max3A_544 [0] : vector<40x128xf32> to vector<128xf32>
      %broadcast_in_dim3A_546 = vector.shape_cast %reduce_max3A_545 : vector<128xf32> to vector<1x128xf32>
      %max3A_547 = arith.maximumf %broadcast_in_dim3A_538, %broadcast_in_dim3A_546 : vector<1x128xf32>
      %lt3A_548 = vector.broadcast %max3A_466 : vector<1x128xf32> to vector<40x128xf32>
      %lt3A_549 = arith.cmpf olt, %get3A_80, %lt3A_548 : vector<40x128xf32>
      %jit3A_550 = arith.constant 0xFF800000 : f32
      %broadcast_in_dim3A_551 = vector.broadcast %jit3A_550 : f32 to vector<40x128xf32>
      %select_n3A_552 = arith.select %lt3A_549, %get3A_80, %broadcast_in_dim3A_551 : vector<40x128xi1>, vector<40x128xf32>
      %reduce_max3A_553 = arith.constant dense<0xFF800000> : vector<128xf32>
      %reduce_max3A_554 = vector.multi_reduction <maximumf>, %select_n3A_552, %reduce_max3A_553 [0] : vector<40x128xf32> to vector<128xf32>
      %broadcast_in_dim3A_555 = vector.shape_cast %reduce_max3A_554 : vector<128xf32> to vector<1x128xf32>
      %max3A_556 = arith.maximumf %max3A_547, %broadcast_in_dim3A_555 : vector<1x128xf32>
      %lt3A_557 = vector.broadcast %max3A_466 : vector<1x128xf32> to vector<40x128xf32>
      %lt3A_558 = arith.cmpf olt, %get3A_85, %lt3A_557 : vector<40x128xf32>
      %jit3A_559 = arith.constant 0xFF800000 : f32
      %broadcast_in_dim3A_560 = vector.broadcast %jit3A_559 : f32 to vector<40x128xf32>
      %select_n3A_561 = arith.select %lt3A_558, %get3A_85, %broadcast_in_dim3A_560 : vector<40x128xi1>, vector<40x128xf32>
      %reduce_max3A_562 = arith.constant dense<0xFF800000> : vector<128xf32>
      %reduce_max3A_563 = vector.multi_reduction <maximumf>, %select_n3A_561, %reduce_max3A_562 [0] : vector<40x128xf32> to vector<128xf32>
      %broadcast_in_dim3A_564 = vector.shape_cast %reduce_max3A_563 : vector<128xf32> to vector<1x128xf32>
      %max3A_565 = arith.maximumf %max3A_556, %broadcast_in_dim3A_564 : vector<1x128xf32>
      %lt3A_566 = vector.broadcast %max3A_466 : vector<1x128xf32> to vector<40x128xf32>
      %lt3A_567 = arith.cmpf olt, %get3A_90, %lt3A_566 : vector<40x128xf32>
      %jit3A_568 = arith.constant 0xFF800000 : f32
      %broadcast_in_dim3A_569 = vector.broadcast %jit3A_568 : f32 to vector<40x128xf32>
      %select_n3A_570 = arith.select %lt3A_567, %get3A_90, %broadcast_in_dim3A_569 : vector<40x128xi1>, vector<40x128xf32>
      %reduce_max3A_571 = arith.constant dense<0xFF800000> : vector<128xf32>
      %reduce_max3A_572 = vector.multi_reduction <maximumf>, %select_n3A_570, %reduce_max3A_571 [0] : vector<40x128xf32> to vector<128xf32>
      %broadcast_in_dim3A_573 = vector.shape_cast %reduce_max3A_572 : vector<128xf32> to vector<1x128xf32>
      %max3A_574 = arith.maximumf %max3A_565, %broadcast_in_dim3A_573 : vector<1x128xf32>
      %lt3A_575 = vector.broadcast %max3A_466 : vector<1x128xf32> to vector<40x128xf32>
      %lt3A_576 = arith.cmpf olt, %get3A_95, %lt3A_575 : vector<40x128xf32>
      %jit3A_577 = arith.constant 0xFF800000 : f32
      %broadcast_in_dim3A_578 = vector.broadcast %jit3A_577 : f32 to vector<40x128xf32>
      %select_n3A_579 = arith.select %lt3A_576, %get3A_95, %broadcast_in_dim3A_578 : vector<40x128xi1>, vector<40x128xf32>
      %reduce_max3A_580 = arith.constant dense<0xFF800000> : vector<128xf32>
      %reduce_max3A_581 = vector.multi_reduction <maximumf>, %select_n3A_579, %reduce_max3A_580 [0] : vector<40x128xf32> to vector<128xf32>
      %broadcast_in_dim3A_582 = vector.shape_cast %reduce_max3A_581 : vector<128xf32> to vector<1x128xf32>
      %max3A_583 = arith.maximumf %max3A_574, %broadcast_in_dim3A_582 : vector<1x128xf32>
      %broadcast_in_dim3A_584 = arith.constant 0.000000e+00 : f32
      %broadcast_in_dim3A_585 = vector.broadcast %broadcast_in_dim3A_584 : f32 to vector<1x128xf32>
      %eq3A_586 = vector.broadcast %max3A_583 : vector<1x128xf32> to vector<40x128xf32>
      %eq3A_587 = arith.cmpf oeq, %get3A_75, %eq3A_586 : vector<40x128xf32>
      %jit3A_588 = arith.constant 1.000000e+00 : f32
      %jit3A_589 = arith.constant 0.000000e+00 : f32
      %broadcast_in_dim3A_590 = vector.broadcast %jit3A_588 : f32 to vector<40x128xf32>
      %broadcast_in_dim3A_591 = vector.broadcast %jit3A_589 : f32 to vector<40x128xf32>
      %select_n3A_592 = arith.select %eq3A_587, %broadcast_in_dim3A_590, %broadcast_in_dim3A_591 : vector<40x128xi1>, vector<40x128xf32>
      %reduce_sum3A_593 = arith.constant dense<0.000000e+00> : vector<128xf32>
      %reduce_sum3A_594 = vector.multi_reduction <add>, %select_n3A_592, %reduce_sum3A_593 [0] : vector<40x128xf32> to vector<128xf32>
      %broadcast_in_dim3A_595 = vector.shape_cast %reduce_sum3A_594 : vector<128xf32> to vector<1x128xf32>
      %add3A_596 = arith.addf %broadcast_in_dim3A_585, %broadcast_in_dim3A_595 : vector<1x128xf32>
      %eq3A_597 = vector.broadcast %max3A_583 : vector<1x128xf32> to vector<40x128xf32>
      %eq3A_598 = arith.cmpf oeq, %get3A_80, %eq3A_597 : vector<40x128xf32>
      %jit3A_599 = arith.constant 1.000000e+00 : f32
      %jit3A_600 = arith.constant 0.000000e+00 : f32
      %broadcast_in_dim3A_601 = vector.broadcast %jit3A_599 : f32 to vector<40x128xf32>
      %broadcast_in_dim3A_602 = vector.broadcast %jit3A_600 : f32 to vector<40x128xf32>
      %select_n3A_603 = arith.select %eq3A_598, %broadcast_in_dim3A_601, %broadcast_in_dim3A_602 : vector<40x128xi1>, vector<40x128xf32>
      %reduce_sum3A_604 = arith.constant dense<0.000000e+00> : vector<128xf32>
      %reduce_sum3A_605 = vector.multi_reduction <add>, %select_n3A_603, %reduce_sum3A_604 [0] : vector<40x128xf32> to vector<128xf32>
      %broadcast_in_dim3A_606 = vector.shape_cast %reduce_sum3A_605 : vector<128xf32> to vector<1x128xf32>
      %add3A_607 = arith.addf %add3A_596, %broadcast_in_dim3A_606 : vector<1x128xf32>
      %eq3A_608 = vector.broadcast %max3A_583 : vector<1x128xf32> to vector<40x128xf32>
      %eq3A_609 = arith.cmpf oeq, %get3A_85, %eq3A_608 : vector<40x128xf32>
      %jit3A_610 = arith.constant 1.000000e+00 : f32
      %jit3A_611 = arith.constant 0.000000e+00 : f32
      %broadcast_in_dim3A_612 = vector.broadcast %jit3A_610 : f32 to vector<40x128xf32>
      %broadcast_in_dim3A_613 = vector.broadcast %jit3A_611 : f32 to vector<40x128xf32>
      %select_n3A_614 = arith.select %eq3A_609, %broadcast_in_dim3A_612, %broadcast_in_dim3A_613 : vector<40x128xi1>, vector<40x128xf32>
      %reduce_sum3A_615 = arith.constant dense<0.000000e+00> : vector<128xf32>
      %reduce_sum3A_616 = vector.multi_reduction <add>, %select_n3A_614, %reduce_sum3A_615 [0] : vector<40x128xf32> to vector<128xf32>
      %broadcast_in_dim3A_617 = vector.shape_cast %reduce_sum3A_616 : vector<128xf32> to vector<1x128xf32>
      %add3A_618 = arith.addf %add3A_607, %broadcast_in_dim3A_617 : vector<1x128xf32>
      %eq3A_619 = vector.broadcast %max3A_583 : vector<1x128xf32> to vector<40x128xf32>
      %eq3A_620 = arith.cmpf oeq, %get3A_90, %eq3A_619 : vector<40x128xf32>
      %jit3A_621 = arith.constant 1.000000e+00 : f32
      %jit3A_622 = arith.constant 0.000000e+00 : f32
      %broadcast_in_dim3A_623 = vector.broadcast %jit3A_621 : f32 to vector<40x128xf32>
      %broadcast_in_dim3A_624 = vector.broadcast %jit3A_622 : f32 to vector<40x128xf32>
      %select_n3A_625 = arith.select %eq3A_620, %broadcast_in_dim3A_623, %broadcast_in_dim3A_624 : vector<40x128xi1>, vector<40x128xf32>
      %reduce_sum3A_626 = arith.constant dense<0.000000e+00> : vector<128xf32>
      %reduce_sum3A_627 = vector.multi_reduction <add>, %select_n3A_625, %reduce_sum3A_626 [0] : vector<40x128xf32> to vector<128xf32>
      %broadcast_in_dim3A_628 = vector.shape_cast %reduce_sum3A_627 : vector<128xf32> to vector<1x128xf32>
      %add3A_629 = arith.addf %add3A_618, %broadcast_in_dim3A_628 : vector<1x128xf32>
      %eq3A_630 = vector.broadcast %max3A_583 : vector<1x128xf32> to vector<40x128xf32>
      %eq3A_631 = arith.cmpf oeq, %get3A_95, %eq3A_630 : vector<40x128xf32>
      %jit3A_632 = arith.constant 1.000000e+00 : f32
      %jit3A_633 = arith.constant 0.000000e+00 : f32
      %broadcast_in_dim3A_634 = vector.broadcast %jit3A_632 : f32 to vector<40x128xf32>
      %broadcast_in_dim3A_635 = vector.broadcast %jit3A_633 : f32 to vector<40x128xf32>
      %select_n3A_636 = arith.select %eq3A_631, %broadcast_in_dim3A_634, %broadcast_in_dim3A_635 : vector<40x128xi1>, vector<40x128xf32>
      %reduce_sum3A_637 = arith.constant dense<0.000000e+00> : vector<128xf32>
      %reduce_sum3A_638 = vector.multi_reduction <add>, %select_n3A_636, %reduce_sum3A_637 [0] : vector<40x128xf32> to vector<128xf32>
      %broadcast_in_dim3A_639 = vector.shape_cast %reduce_sum3A_638 : vector<128xf32> to vector<1x128xf32>
      %add3A_640 = arith.addf %add3A_629, %broadcast_in_dim3A_639 : vector<1x128xf32>
      %min3A_641 = arith.minimumf %sub3A_532, %add3A_640 : vector<1x128xf32>
      %sub3A_642 = arith.subf %max3A_583, %get3A_102 : vector<1x128xf32>
      %min3A_643 = arith.constant 8.000000e+01 : f32
      %min3A_644 = vector.broadcast %min3A_643 : f32 to vector<1x128xf32>
      %min3A_645 = arith.minimumf %sub3A_642, %min3A_644 : vector<1x128xf32>
      %exp3A_646 = math.exp %min3A_645 : vector<1x128xf32>
      %mul3A_647 = arith.mulf %min3A_641, %exp3A_646 : vector<1x128xf32>
      %add3A_648 = arith.addf %add3A_531, %mul3A_647 : vector<1x128xf32>
      %gt3A_649 = arith.constant 0.000000e+00 : f32
      %gt3A_650 = vector.broadcast %gt3A_649 : f32 to vector<1x128xf32>
      %gt3A_651 = arith.cmpf ogt, %min3A_641, %gt3A_650 : vector<1x128xf32>
      %select_n3A_652 = arith.select %gt3A_651, %max3A_583, %select_n3A_536 : vector<1x128xi1>, vector<1x128xf32>
      %lt3A_653 = arith.cmpf olt, %get3A_102, %select_n3A_652 : vector<1x128xf32>
      %jit3A_654 = arith.constant 1.000000e+00 : f32
      %jit3A_655 = arith.constant 0.000000e+00 : f32
      %broadcast_in_dim3A_656 = vector.broadcast %jit3A_654 : f32 to vector<1x128xf32>
      %broadcast_in_dim3A_657 = vector.broadcast %jit3A_655 : f32 to vector<1x128xf32>
      %select_n3A_658 = arith.select %lt3A_653, %broadcast_in_dim3A_656, %broadcast_in_dim3A_657 : vector<1x128xi1>, vector<1x128xf32>
      %neg3A = arith.constant 0.000000e+00 : f32
      %neg3A_659 = vector.broadcast %neg3A : f32 to vector<1x128xf32>
      %neg3A_660 = arith.subf %neg3A_659, %get3A_102 : vector<1x128xf32>
      %exp3A_661 = math.exp %neg3A_660 : vector<1x128xf32>
      %mul3A_662 = arith.mulf %exp3A_661, %broadcast_in_dim3A : vector<1x128xf32>
      %sub3A_663 = arith.subf %mul3A_662, %add3A_648 : vector<1x128xf32>
      %sub3A_664 = arith.subf %sub3A_663, %select_n3A_658 : vector<1x128xf32>
      %add3A_665 = arith.constant 1.000000e+00 : f32
      %add3A_666 = vector.broadcast %add3A_665 : f32 to vector<1x128xf32>
      %add3A_667 = arith.addf %add3A_666, %sub3A_664 : vector<1x128xf32>
      %log3A = math.log %add3A_667 : vector<1x128xf32>
      %reduce_sum3A_668 = vector.shape_cast %log3A : vector<1x128xf32> to vector<1x1x128xf32>
      %reduce_sum3A_669 = arith.constant dense<0.000000e+00> : vector<1xf32>
      %reduce_sum3A_670 = vector.multi_reduction <add>, %reduce_sum3A_668, %reduce_sum3A_669 [1, 2] : vector<1x1x128xf32> to vector<1xf32>
      %reduce_sum3A_671 = vector.shape_cast %reduce_sum3A_670 : vector<1xf32> to vector<1x1x1xf32>
      %reduce_sum3A_672 = vector.extract %reduce_sum3A_671[0, 0, 0] : f32 from vector<1x1x1xf32>
      %mul3A_673 = arith.constant 7.812500e-03 : f32
      %mul3A_674 = arith.mulf %reduce_sum3A_672, %mul3A_673 : f32
      %reshape3A = vector.broadcast %mul3A_674 : f32 to vector<1x1xf32>
      %swap3A_675 = arith.constant 0 : index
      %swap3A_676 = arith.constant 0 : index
      %swap3A_677 = vector.load %arg3[%swap3A_675, %swap3A_676] : memref<1x1xf32, #tpu.memory_space<vmem>>, vector<1x1xf32>
      tpu.vector_store %arg3[%swap3A_675, %swap3A_676], %reshape3A {strides = array<i32>} : memref<1x1xf32, #tpu.memory_space<vmem>>, vector<1x1xf32>,
      %eq3A_678 = arith.cmpf oeq, %get3A_102, %select_n3A_652 : vector<1x128xf32>
      %reduce_or3A = arith.constant 1.000000e+00 : f32
      %reduce_or3A_679 = arith.constant 0.000000e+00 : f32
      %reduce_or3A_680 = vector.broadcast %reduce_or3A : f32 to vector<1x128xf32>
      %reduce_or3A_681 = vector.broadcast %reduce_or3A_679 : f32 to vector<1x128xf32>
      %reduce_or3A_682 = arith.select %eq3A_678, %reduce_or3A_680, %reduce_or3A_681 : vector<1x128xi1>, vector<1x128xf32>
      %reduce_or3A_683 = vector.shape_cast %reduce_or3A_682 : vector<1x128xf32> to vector<1x1x128xf32>
      %reduce_or3A_684 = arith.constant dense<0xFF800000> : vector<1xf32>
      %reduce_or3A_685 = vector.multi_reduction <maximumf>, %reduce_or3A_683, %reduce_or3A_684 [1, 2] : vector<1x1x128xf32> to vector<1xf32>
      %reduce_or3A_686 = vector.shape_cast %reduce_or3A_685 : vector<1xf32> to vector<1x1x1xf32>
      %reduce_or3A_687 = vector.extract %reduce_or3A_686[0, 0, 0] : f32 from vector<1x1x1xf32>
      %reduce_or3A_688 = arith.constant 0.000000e+00 : f32
      %reduce_or3A_689 = arith.cmpf ogt, %reduce_or3A_687, %reduce_or3A_688 : f32
      %jit3A_690 = arith.constant 1.000000e+00 : f32
      %jit3A_691 = arith.constant 0.000000e+00 : f32
      %select_n3A_692 = arith.select %reduce_or3A_689, %jit3A_690, %jit3A_691 : f32
      %reshape3A_693 = vector.broadcast %select_n3A_692 : f32 to vector<1x1xf32>
      %swap3A_694 = arith.constant 0 : index
      %swap3A_695 = arith.constant 0 : index
      %swap3A_696 = vector.load %arg4[%swap3A_694, %swap3A_695] : memref<1x1xf32, #tpu.memory_space<vmem>>, vector<1x1xf32>
      tpu.vector_store %arg4[%swap3A_694, %swap3A_695], %reshape3A_693 {strides = array<i32>} : memref<1x1xf32, #tpu.memory_space<vmem>>, vector<1x1xf32>,
    } else {
    }
    return
  }
  func.func @transform_0(%arg0: i32) -> (i32, i32) {
    %c0_i32 = arith.constant 0 : i32
    %c0_i32_0 = arith.constant 0 : i32
    return %arg0, %c0_i32 : i32, i32
  }
  func.func @transform_1(%arg0: i32) -> (i32, i32) {
    %c0_i32 = arith.constant 0 : i32
    %c0_i32_0 = arith.constant 0 : i32
    %c0_i32_1 = arith.constant 0 : i32
    return %c0_i32, %c0_i32_0 : i32, i32
  }
  func.func @transform_2(%arg0: i32) -> (i32, i32) {
    %c0_i32 = arith.constant 0 : i32
    %c0_i32_0 = arith.constant 0 : i32
    %c0_i32_1 = arith.constant 0 : i32
    return %c0_i32, %c0_i32_0 : i32, i32
  }
  func.func @transform_3(%arg0: i32) -> (i32, i32) {
    %c0_i32 = arith.constant 0 : i32
    %c0_i32_0 = arith.constant 0 : i32
    %c0_i32_1 = arith.constant 0 : i32
    return %c0_i32, %c0_i32_0 : i32, i32
  }
}

module attributes {stable_mosaic.version = 14 : i64} {
  func.func @_exact_body(%arg0: i32, %arg1: memref<8x100000xf32, #tpu.memory_space<vmem>>, %arg2: memref<128x1xi32, #tpu.memory_space<vmem>>, %arg3: memref<1x1xf32, #tpu.memory_space<vmem>>, %arg4: memref<8x1xf32, #tpu.memory_space<vmem>>) attributes {dimension_semantics = [#tpu.dimension_semantics<arbitrary>], iteration_bounds = array<i64: 16>, scalar_prefetch = 0 : i64, scratch_operands = 1 : i64, tpu.core_type = #tpu.core_type<tc>, window_params = [{transform_indices = @transform_0, window_bounds = array<i64: 8, 100000>}, {pipeline_mode = #tpu.pipeline_mode<synchronous>, transform_indices = @transform_1, window_bounds = array<i64: 128, 1>}, {pipeline_mode = #tpu.pipeline_mode<synchronous>, transform_indices = @transform_2, window_bounds = array<i64: 1, 1>}]} {
    %mul3A = arith.constant 8 : i32
    %mul3A_0 = arith.muli %arg0, %mul3A : i32
    %get3A = arith.index_cast %mul3A_0 : i32 to index
    %get3A_1 = arith.constant 0 : index
    %get3A_2 = vector.load %arg2[%get3A, %get3A_1] : memref<128x1xi32, #tpu.memory_space<vmem>>, vector<8x1xi32>
    %get3A_3 = arith.constant 0 : index
    %get3A_4 = arith.constant 0 : index
    %get3A_5 = vector.load %arg1[%get3A_3, %get3A_4] : memref<8x100000xf32, #tpu.memory_space<vmem>>, vector<8x100000xf32>
    %iota3A = tpu.iota {dimensions = array<i32: 1>} : vector<8x100000xi32>
    %eq3A = vector.broadcast %get3A_2 : vector<8x1xi32> to vector<8x100000xi32>
    %eq3A_6 = arith.cmpi eq, %iota3A, %eq3A : vector<8x100000xi32>
    %jit3A = arith.constant 0.000000e+00 : f32
    %broadcast_in_dim3A = vector.broadcast %jit3A : f32 to vector<8x100000xf32>
    %select_n3A = arith.select %eq3A_6, %get3A_5, %broadcast_in_dim3A : vector<8x100000xi1>, vector<8x100000xf32>
    %reduce_sum3A = arith.constant dense<0.000000e+00> : vector<8xf32>
    %reduce_sum3A_7 = vector.multi_reduction <add>, %select_n3A, %reduce_sum3A [1] : vector<8x100000xf32> to vector<8xf32>
    %broadcast_in_dim3A_8 = vector.shape_cast %reduce_sum3A_7 : vector<8xf32> to vector<8x1xf32>
    %exp3A = math.exp %get3A_5 : vector<8x100000xf32>
    %reduce_sum3A_9 = arith.constant dense<0.000000e+00> : vector<8xf32>
    %reduce_sum3A_10 = vector.multi_reduction <add>, %exp3A, %reduce_sum3A_9 [1] : vector<8x100000xf32> to vector<8xf32>
    %broadcast_in_dim3A_11 = vector.shape_cast %reduce_sum3A_10 : vector<8xf32> to vector<8x1xf32>
    %broadcast_in_dim3A_12 = arith.constant 5.000000e+00 : f32
    %broadcast_in_dim3A_13 = vector.broadcast %broadcast_in_dim3A_12 : f32 to vector<8x1xf32>
    %broadcast_in_dim3A_14 = arith.constant 0.000000e+00 : f32
    %broadcast_in_dim3A_15 = vector.broadcast %broadcast_in_dim3A_14 : f32 to vector<8x1xf32>
    %broadcast_in_dim3A_16 = arith.constant 0x7F800000 : f32
    %broadcast_in_dim3A_17 = vector.broadcast %broadcast_in_dim3A_16 : f32 to vector<8x1xf32>
    %lt3A = vector.broadcast %broadcast_in_dim3A_17 : vector<8x1xf32> to vector<8x100000xf32>
    %lt3A_18 = arith.cmpf olt, %get3A_5, %lt3A : vector<8x100000xf32>
    %jit3A_19 = arith.constant 0xFF800000 : f32
    %broadcast_in_dim3A_20 = vector.broadcast %jit3A_19 : f32 to vector<8x100000xf32>
    %select_n3A_21 = arith.select %lt3A_18, %get3A_5, %broadcast_in_dim3A_20 : vector<8x100000xi1>, vector<8x100000xf32>
    %reduce_max3A = arith.constant dense<0xFF800000> : vector<8xf32>
    %reduce_max3A_22 = vector.multi_reduction <maximumf>, %select_n3A_21, %reduce_max3A [1] : vector<8x100000xf32> to vector<8xf32>
    %broadcast_in_dim3A_23 = vector.shape_cast %reduce_max3A_22 : vector<8xf32> to vector<8x1xf32>
    %eq3A_24 = vector.broadcast %broadcast_in_dim3A_23 : vector<8x1xf32> to vector<8x100000xf32>
    %eq3A_25 = arith.cmpf oeq, %get3A_5, %eq3A_24 : vector<8x100000xf32>
    %jit3A_26 = arith.constant 1.000000e+00 : f32
    %jit3A_27 = arith.constant 0.000000e+00 : f32
    %broadcast_in_dim3A_28 = vector.broadcast %jit3A_26 : f32 to vector<8x100000xf32>
    %broadcast_in_dim3A_29 = vector.broadcast %jit3A_27 : f32 to vector<8x100000xf32>
    %select_n3A_30 = arith.select %eq3A_25, %broadcast_in_dim3A_28, %broadcast_in_dim3A_29 : vector<8x100000xi1>, vector<8x100000xf32>
    %reduce_sum3A_31 = arith.constant dense<0.000000e+00> : vector<8xf32>
    %reduce_sum3A_32 = vector.multi_reduction <add>, %select_n3A_30, %reduce_sum3A_31 [1] : vector<8x100000xf32> to vector<8xf32>
    %broadcast_in_dim3A_33 = vector.shape_cast %reduce_sum3A_32 : vector<8xf32> to vector<8x1xf32>
    %min3A = arith.minimumf %broadcast_in_dim3A_13, %broadcast_in_dim3A_33 : vector<8x1xf32>
    %sub3A = arith.subf %broadcast_in_dim3A_23, %broadcast_in_dim3A_8 : vector<8x1xf32>
    %min3A_34 = arith.constant 8.000000e+01 : f32
    %min3A_35 = vector.broadcast %min3A_34 : f32 to vector<8x1xf32>
    %min3A_36 = arith.minimumf %sub3A, %min3A_35 : vector<8x1xf32>
    %exp3A_37 = math.exp %min3A_36 : vector<8x1xf32>
    %mul3A_38 = arith.mulf %min3A, %exp3A_37 : vector<8x1xf32>
    %add3A = arith.addf %broadcast_in_dim3A_15, %mul3A_38 : vector<8x1xf32>
    %sub3A_39 = arith.subf %broadcast_in_dim3A_13, %min3A : vector<8x1xf32>
    %lt3A_40 = vector.broadcast %broadcast_in_dim3A_23 : vector<8x1xf32> to vector<8x100000xf32>
    %lt3A_41 = arith.cmpf olt, %get3A_5, %lt3A_40 : vector<8x100000xf32>
    %jit3A_42 = arith.constant 0xFF800000 : f32
    %broadcast_in_dim3A_43 = vector.broadcast %jit3A_42 : f32 to vector<8x100000xf32>
    %select_n3A_44 = arith.select %lt3A_41, %get3A_5, %broadcast_in_dim3A_43 : vector<8x100000xi1>, vector<8x100000xf32>
    %reduce_max3A_45 = arith.constant dense<0xFF800000> : vector<8xf32>
    %reduce_max3A_46 = vector.multi_reduction <maximumf>, %select_n3A_44, %reduce_max3A_45 [1] : vector<8x100000xf32> to vector<8xf32>
    %broadcast_in_dim3A_47 = vector.shape_cast %reduce_max3A_46 : vector<8xf32> to vector<8x1xf32>
    %eq3A_48 = vector.broadcast %broadcast_in_dim3A_47 : vector<8x1xf32> to vector<8x100000xf32>
    %eq3A_49 = arith.cmpf oeq, %get3A_5, %eq3A_48 : vector<8x100000xf32>
    %jit3A_50 = arith.constant 1.000000e+00 : f32
    %jit3A_51 = arith.constant 0.000000e+00 : f32
    %broadcast_in_dim3A_52 = vector.broadcast %jit3A_50 : f32 to vector<8x100000xf32>
    %broadcast_in_dim3A_53 = vector.broadcast %jit3A_51 : f32 to vector<8x100000xf32>
    %select_n3A_54 = arith.select %eq3A_49, %broadcast_in_dim3A_52, %broadcast_in_dim3A_53 : vector<8x100000xi1>, vector<8x100000xf32>
    %reduce_sum3A_55 = arith.constant dense<0.000000e+00> : vector<8xf32>
    %reduce_sum3A_56 = vector.multi_reduction <add>, %select_n3A_54, %reduce_sum3A_55 [1] : vector<8x100000xf32> to vector<8xf32>
    %broadcast_in_dim3A_57 = vector.shape_cast %reduce_sum3A_56 : vector<8xf32> to vector<8x1xf32>
    %min3A_58 = arith.minimumf %sub3A_39, %broadcast_in_dim3A_57 : vector<8x1xf32>
    %sub3A_59 = arith.subf %broadcast_in_dim3A_47, %broadcast_in_dim3A_8 : vector<8x1xf32>
    %min3A_60 = arith.constant 8.000000e+01 : f32
    %min3A_61 = vector.broadcast %min3A_60 : f32 to vector<8x1xf32>
    %min3A_62 = arith.minimumf %sub3A_59, %min3A_61 : vector<8x1xf32>
    %exp3A_63 = math.exp %min3A_62 : vector<8x1xf32>
    %mul3A_64 = arith.mulf %min3A_58, %exp3A_63 : vector<8x1xf32>
    %add3A_65 = arith.addf %add3A, %mul3A_64 : vector<8x1xf32>
    %sub3A_66 = arith.subf %sub3A_39, %min3A_58 : vector<8x1xf32>
    %lt3A_67 = vector.broadcast %broadcast_in_dim3A_47 : vector<8x1xf32> to vector<8x100000xf32>
    %lt3A_68 = arith.cmpf olt, %get3A_5, %lt3A_67 : vector<8x100000xf32>
    %jit3A_69 = arith.constant 0xFF800000 : f32
    %broadcast_in_dim3A_70 = vector.broadcast %jit3A_69 : f32 to vector<8x100000xf32>
    %select_n3A_71 = arith.select %lt3A_68, %get3A_5, %broadcast_in_dim3A_70 : vector<8x100000xi1>, vector<8x100000xf32>
    %reduce_max3A_72 = arith.constant dense<0xFF800000> : vector<8xf32>
    %reduce_max3A_73 = vector.multi_reduction <maximumf>, %select_n3A_71, %reduce_max3A_72 [1] : vector<8x100000xf32> to vector<8xf32>
    %broadcast_in_dim3A_74 = vector.shape_cast %reduce_max3A_73 : vector<8xf32> to vector<8x1xf32>
    %eq3A_75 = vector.broadcast %broadcast_in_dim3A_74 : vector<8x1xf32> to vector<8x100000xf32>
    %eq3A_76 = arith.cmpf oeq, %get3A_5, %eq3A_75 : vector<8x100000xf32>
    %jit3A_77 = arith.constant 1.000000e+00 : f32
    %jit3A_78 = arith.constant 0.000000e+00 : f32
    %broadcast_in_dim3A_79 = vector.broadcast %jit3A_77 : f32 to vector<8x100000xf32>
    %broadcast_in_dim3A_80 = vector.broadcast %jit3A_78 : f32 to vector<8x100000xf32>
    %select_n3A_81 = arith.select %eq3A_76, %broadcast_in_dim3A_79, %broadcast_in_dim3A_80 : vector<8x100000xi1>, vector<8x100000xf32>
    %reduce_sum3A_82 = arith.constant dense<0.000000e+00> : vector<8xf32>
    %reduce_sum3A_83 = vector.multi_reduction <add>, %select_n3A_81, %reduce_sum3A_82 [1] : vector<8x100000xf32> to vector<8xf32>
    %broadcast_in_dim3A_84 = vector.shape_cast %reduce_sum3A_83 : vector<8xf32> to vector<8x1xf32>
    %min3A_85 = arith.minimumf %sub3A_66, %broadcast_in_dim3A_84 : vector<8x1xf32>
    %sub3A_86 = arith.subf %broadcast_in_dim3A_74, %broadcast_in_dim3A_8 : vector<8x1xf32>
    %min3A_87 = arith.constant 8.000000e+01 : f32
    %min3A_88 = vector.broadcast %min3A_87 : f32 to vector<8x1xf32>
    %min3A_89 = arith.minimumf %sub3A_86, %min3A_88 : vector<8x1xf32>
    %exp3A_90 = math.exp %min3A_89 : vector<8x1xf32>
    %mul3A_91 = arith.mulf %min3A_85, %exp3A_90 : vector<8x1xf32>
    %add3A_92 = arith.addf %add3A_65, %mul3A_91 : vector<8x1xf32>
    %sub3A_93 = arith.subf %sub3A_66, %min3A_85 : vector<8x1xf32>
    %lt3A_94 = vector.broadcast %broadcast_in_dim3A_74 : vector<8x1xf32> to vector<8x100000xf32>
    %lt3A_95 = arith.cmpf olt, %get3A_5, %lt3A_94 : vector<8x100000xf32>
    %jit3A_96 = arith.constant 0xFF800000 : f32
    %broadcast_in_dim3A_97 = vector.broadcast %jit3A_96 : f32 to vector<8x100000xf32>
    %select_n3A_98 = arith.select %lt3A_95, %get3A_5, %broadcast_in_dim3A_97 : vector<8x100000xi1>, vector<8x100000xf32>
    %reduce_max3A_99 = arith.constant dense<0xFF800000> : vector<8xf32>
    %reduce_max3A_100 = vector.multi_reduction <maximumf>, %select_n3A_98, %reduce_max3A_99 [1] : vector<8x100000xf32> to vector<8xf32>
    %broadcast_in_dim3A_101 = vector.shape_cast %reduce_max3A_100 : vector<8xf32> to vector<8x1xf32>
    %eq3A_102 = vector.broadcast %broadcast_in_dim3A_101 : vector<8x1xf32> to vector<8x100000xf32>
    %eq3A_103 = arith.cmpf oeq, %get3A_5, %eq3A_102 : vector<8x100000xf32>
    %jit3A_104 = arith.constant 1.000000e+00 : f32
    %jit3A_105 = arith.constant 0.000000e+00 : f32
    %broadcast_in_dim3A_106 = vector.broadcast %jit3A_104 : f32 to vector<8x100000xf32>
    %broadcast_in_dim3A_107 = vector.broadcast %jit3A_105 : f32 to vector<8x100000xf32>
    %select_n3A_108 = arith.select %eq3A_103, %broadcast_in_dim3A_106, %broadcast_in_dim3A_107 : vector<8x100000xi1>, vector<8x100000xf32>
    %reduce_sum3A_109 = arith.constant dense<0.000000e+00> : vector<8xf32>
    %reduce_sum3A_110 = vector.multi_reduction <add>, %select_n3A_108, %reduce_sum3A_109 [1] : vector<8x100000xf32> to vector<8xf32>
    %broadcast_in_dim3A_111 = vector.shape_cast %reduce_sum3A_110 : vector<8xf32> to vector<8x1xf32>
    %min3A_112 = arith.minimumf %sub3A_93, %broadcast_in_dim3A_111 : vector<8x1xf32>
    %sub3A_113 = arith.subf %broadcast_in_dim3A_101, %broadcast_in_dim3A_8 : vector<8x1xf32>
    %min3A_114 = arith.constant 8.000000e+01 : f32
    %min3A_115 = vector.broadcast %min3A_114 : f32 to vector<8x1xf32>
    %min3A_116 = arith.minimumf %sub3A_113, %min3A_115 : vector<8x1xf32>
    %exp3A_117 = math.exp %min3A_116 : vector<8x1xf32>
    %mul3A_118 = arith.mulf %min3A_112, %exp3A_117 : vector<8x1xf32>
    %add3A_119 = arith.addf %add3A_92, %mul3A_118 : vector<8x1xf32>
    %sub3A_120 = arith.subf %sub3A_93, %min3A_112 : vector<8x1xf32>
    %lt3A_121 = vector.broadcast %broadcast_in_dim3A_101 : vector<8x1xf32> to vector<8x100000xf32>
    %lt3A_122 = arith.cmpf olt, %get3A_5, %lt3A_121 : vector<8x100000xf32>
    %jit3A_123 = arith.constant 0xFF800000 : f32
    %broadcast_in_dim3A_124 = vector.broadcast %jit3A_123 : f32 to vector<8x100000xf32>
    %select_n3A_125 = arith.select %lt3A_122, %get3A_5, %broadcast_in_dim3A_124 : vector<8x100000xi1>, vector<8x100000xf32>
    %reduce_max3A_126 = arith.constant dense<0xFF800000> : vector<8xf32>
    %reduce_max3A_127 = vector.multi_reduction <maximumf>, %select_n3A_125, %reduce_max3A_126 [1] : vector<8x100000xf32> to vector<8xf32>
    %broadcast_in_dim3A_128 = vector.shape_cast %reduce_max3A_127 : vector<8xf32> to vector<8x1xf32>
    %eq3A_129 = vector.broadcast %broadcast_in_dim3A_128 : vector<8x1xf32> to vector<8x100000xf32>
    %eq3A_130 = arith.cmpf oeq, %get3A_5, %eq3A_129 : vector<8x100000xf32>
    %jit3A_131 = arith.constant 1.000000e+00 : f32
    %jit3A_132 = arith.constant 0.000000e+00 : f32
    %broadcast_in_dim3A_133 = vector.broadcast %jit3A_131 : f32 to vector<8x100000xf32>
    %broadcast_in_dim3A_134 = vector.broadcast %jit3A_132 : f32 to vector<8x100000xf32>
    %select_n3A_135 = arith.select %eq3A_130, %broadcast_in_dim3A_133, %broadcast_in_dim3A_134 : vector<8x100000xi1>, vector<8x100000xf32>
    %reduce_sum3A_136 = arith.constant dense<0.000000e+00> : vector<8xf32>
    %reduce_sum3A_137 = vector.multi_reduction <add>, %select_n3A_135, %reduce_sum3A_136 [1] : vector<8x100000xf32> to vector<8xf32>
    %broadcast_in_dim3A_138 = vector.shape_cast %reduce_sum3A_137 : vector<8xf32> to vector<8x1xf32>
    %min3A_139 = arith.minimumf %sub3A_120, %broadcast_in_dim3A_138 : vector<8x1xf32>
    %sub3A_140 = arith.subf %broadcast_in_dim3A_128, %broadcast_in_dim3A_8 : vector<8x1xf32>
    %min3A_141 = arith.constant 8.000000e+01 : f32
    %min3A_142 = vector.broadcast %min3A_141 : f32 to vector<8x1xf32>
    %min3A_143 = arith.minimumf %sub3A_140, %min3A_142 : vector<8x1xf32>
    %exp3A_144 = math.exp %min3A_143 : vector<8x1xf32>
    %mul3A_145 = arith.mulf %min3A_139, %exp3A_144 : vector<8x1xf32>
    %add3A_146 = arith.addf %add3A_119, %mul3A_145 : vector<8x1xf32>
    %gt3A = vector.broadcast %broadcast_in_dim3A_8 : vector<8x1xf32> to vector<8x100000xf32>
    %gt3A_147 = arith.cmpf ogt, %get3A_5, %gt3A : vector<8x100000xf32>
    %jit3A_148 = arith.constant 1.000000e+00 : f32
    %jit3A_149 = arith.constant 0.000000e+00 : f32
    %broadcast_in_dim3A_150 = vector.broadcast %jit3A_148 : f32 to vector<8x100000xf32>
    %broadcast_in_dim3A_151 = vector.broadcast %jit3A_149 : f32 to vector<8x100000xf32>
    %select_n3A_152 = arith.select %gt3A_147, %broadcast_in_dim3A_150, %broadcast_in_dim3A_151 : vector<8x100000xi1>, vector<8x100000xf32>
    %reduce_sum3A_153 = arith.constant dense<0.000000e+00> : vector<8xf32>
    %reduce_sum3A_154 = vector.multi_reduction <add>, %select_n3A_152, %reduce_sum3A_153 [1] : vector<8x100000xf32> to vector<8xf32>
    %broadcast_in_dim3A_155 = vector.shape_cast %reduce_sum3A_154 : vector<8xf32> to vector<8x1xf32>
    %eq3A_156 = vector.broadcast %broadcast_in_dim3A_8 : vector<8x1xf32> to vector<8x100000xf32>
    %eq3A_157 = arith.cmpf oeq, %get3A_5, %eq3A_156 : vector<8x100000xf32>
    %lt3A_158 = vector.broadcast %get3A_2 : vector<8x1xi32> to vector<8x100000xi32>
    %lt3A_159 = arith.cmpi slt, %iota3A, %lt3A_158 : vector<8x100000xi32>
    %and3A = arith.andi %eq3A_157, %lt3A_159 : vector<8x100000xi1>
    %jit3A_160 = arith.constant 1.000000e+00 : f32
    %jit3A_161 = arith.constant 0.000000e+00 : f32
    %broadcast_in_dim3A_162 = vector.broadcast %jit3A_160 : f32 to vector<8x100000xf32>
    %broadcast_in_dim3A_163 = vector.broadcast %jit3A_161 : f32 to vector<8x100000xf32>
    %select_n3A_164 = arith.select %and3A, %broadcast_in_dim3A_162, %broadcast_in_dim3A_163 : vector<8x100000xi1>, vector<8x100000xf32>
    %reduce_sum3A_165 = arith.constant dense<0.000000e+00> : vector<8xf32>
    %reduce_sum3A_166 = vector.multi_reduction <add>, %select_n3A_164, %reduce_sum3A_165 [1] : vector<8x100000xf32> to vector<8xf32>
    %broadcast_in_dim3A_167 = vector.shape_cast %reduce_sum3A_166 : vector<8xf32> to vector<8x1xf32>
    %add3A_168 = arith.addf %broadcast_in_dim3A_155, %broadcast_in_dim3A_167 : vector<8x1xf32>
    %ge3A = arith.constant 5.000000e+00 : f32
    %ge3A_169 = vector.broadcast %ge3A : f32 to vector<8x1xf32>
    %ge3A_170 = arith.cmpf oge, %add3A_168, %ge3A_169 : vector<8x1xf32>
    %jit3A_171 = arith.constant 1.000000e+00 : f32
    %jit3A_172 = arith.constant 0.000000e+00 : f32
    %broadcast_in_dim3A_173 = vector.broadcast %jit3A_171 : f32 to vector<8x1xf32>
    %broadcast_in_dim3A_174 = vector.broadcast %jit3A_172 : f32 to vector<8x1xf32>
    %select_n3A_175 = arith.select %ge3A_170, %broadcast_in_dim3A_173, %broadcast_in_dim3A_174 : vector<8x1xi1>, vector<8x1xf32>
    %neg3A = arith.constant 0.000000e+00 : f32
    %neg3A_176 = vector.broadcast %neg3A : f32 to vector<8x1xf32>
    %neg3A_177 = arith.subf %neg3A_176, %broadcast_in_dim3A_8 : vector<8x1xf32>
    %exp3A_178 = math.exp %neg3A_177 : vector<8x1xf32>
    %mul3A_179 = arith.mulf %exp3A_178, %broadcast_in_dim3A_11 : vector<8x1xf32>
    %sub3A_180 = arith.subf %mul3A_179, %add3A_146 : vector<8x1xf32>
    %sub3A_181 = arith.subf %sub3A_180, %select_n3A_175 : vector<8x1xf32>
    %add3A_182 = arith.constant 1.000000e+00 : f32
    %add3A_183 = vector.broadcast %add3A_182 : f32 to vector<8x1xf32>
    %add3A_184 = arith.addf %add3A_183, %sub3A_181 : vector<8x1xf32>
    %log3A = math.log %add3A_184 : vector<8x1xf32>
    %swap3A = arith.constant 0 : index
    %swap3A_185 = arith.constant 0 : index
    %swap3A_186 = vector.load %arg4[%swap3A, %swap3A_185] : memref<8x1xf32, #tpu.memory_space<vmem>>, vector<8x1xf32>
    tpu.vector_store %arg4[%swap3A, %swap3A_185], %log3A {strides = array<i32>} : memref<8x1xf32, #tpu.memory_space<vmem>>, vector<8x1xf32>,
    %eq3A_187 = arith.constant 0 : i32
    %eq3A_188 = arith.cmpi eq, %arg0, %eq3A_187 : i32
    %convert_element_type3A = arith.extui %eq3A_188 : i1 to i32
    %cond3A = arith.constant 0 : i32
    %cond3A_189 = arith.cmpi ne, %convert_element_type3A, %cond3A : i32
    scf.if %cond3A_189 {
      %broadcast_in_dim3A_208 = arith.constant 0.000000e+00 : f32
      %broadcast_in_dim3A_209 = vector.broadcast %broadcast_in_dim3A_208 : f32 to vector<1x1xf32>
      %swap3A_210 = arith.constant 0 : index
      %swap3A_211 = arith.constant 0 : index
      %swap3A_212 = vector.load %arg3[%swap3A_210, %swap3A_211] : memref<1x1xf32, #tpu.memory_space<vmem>>, vector<1x1xf32>
      tpu.vector_store %arg3[%swap3A_210, %swap3A_211], %broadcast_in_dim3A_209 {strides = array<i32>} : memref<1x1xf32, #tpu.memory_space<vmem>>, vector<1x1xf32>,
    } else {
    }
    %get3A_190 = arith.constant 0 : index
    %get3A_191 = arith.constant 0 : index
    %get3A_192 = vector.load %arg3[%get3A_190, %get3A_191] : memref<1x1xf32, #tpu.memory_space<vmem>>, vector<1x1xf32>
    %get3A_193 = arith.constant 0 : index
    %get3A_194 = arith.constant 0 : index
    %get3A_195 = vector.load %arg4[%get3A_193, %get3A_194] : memref<8x1xf32, #tpu.memory_space<vmem>>, vector<8x1xf32>
    %reduce_sum3A_196 = vector.shape_cast %get3A_195 : vector<8x1xf32> to vector<1x8x1xf32>
    %reduce_sum3A_197 = arith.constant dense<0.000000e+00> : vector<1xf32>
    %reduce_sum3A_198 = vector.multi_reduction <add>, %reduce_sum3A_196, %reduce_sum3A_197 [1, 2] : vector<1x8x1xf32> to vector<1xf32>
    %reduce_sum3A_199 = vector.shape_cast %reduce_sum3A_198 : vector<1xf32> to vector<1x1x1xf32>
    %reduce_sum3A_200 = vector.extract %reduce_sum3A_199[0, 0, 0] : f32 from vector<1x1x1xf32>
    %reshape3A = vector.broadcast %reduce_sum3A_200 : f32 to vector<1x1xf32>
    %mul3A_201 = arith.constant 7.812500e-03 : f32
    %mul3A_202 = vector.broadcast %mul3A_201 : f32 to vector<1x1xf32>
    %mul3A_203 = arith.mulf %reshape3A, %mul3A_202 : vector<1x1xf32>
    %add3A_204 = arith.addf %get3A_192, %mul3A_203 : vector<1x1xf32>
    %swap3A_205 = arith.constant 0 : index
    %swap3A_206 = arith.constant 0 : index
    %swap3A_207 = vector.load %arg3[%swap3A_205, %swap3A_206] : memref<1x1xf32, #tpu.memory_space<vmem>>, vector<1x1xf32>
    tpu.vector_store %arg3[%swap3A_205, %swap3A_206], %add3A_204 {strides = array<i32>} : memref<1x1xf32, #tpu.memory_space<vmem>>, vector<1x1xf32>,
    return
  }
  func.func @transform_0(%arg0: i32) -> (i32, i32) {
    %c0_i32 = arith.constant 0 : i32
    %c0_i32_0 = arith.constant 0 : i32
    return %arg0, %c0_i32 : i32, i32
  }
  func.func @transform_1(%arg0: i32) -> (i32, i32) {
    %c0_i32 = arith.constant 0 : i32
    %c0_i32_0 = arith.constant 0 : i32
    %c0_i32_1 = arith.constant 0 : i32
    return %c0_i32, %c0_i32_0 : i32, i32
  }
  func.func @transform_2(%arg0: i32) -> (i32, i32) {
    %c0_i32 = arith.constant 0 : i32
    %c0_i32_0 = arith.constant 0 : i32
    %c0_i32_1 = arith.constant 0 : i32
    return %c0_i32, %c0_i32_0 : i32, i32
  }
}

</mosaic_0001>

<sc_bundles>
// kernel: kernel.4.cloned.1.call-start
scs
__scs_entry_jumppad:
0x0: {  	(pc) =	sbr.rel $0x88, $3  }
0x1: {  	(tag) =	ssettag $0x0;
	lr =	simm.s32 $0x1  }
0x2: {  	[smem:$0x3F9F] =	sst lr;
	_ =	strace $0xD0000000  }
0x3: {  	_ = 	snop  }
0x4: {  	_ = 	snop  }
0x5: {  	_ = 	snop  }
0x6: {  	_ = 	snop  }
0x7: {  	_ = 	snop  }
__scs_overlays_trampoline_lowered:
0x8: {  	[smem:$0x3FAE] =	sst s0  }
0x9: {  	[smem:$0x3FAF] =	sst s1  }
0xa: {  	[smem:$0x3FB0] =	sst s2  }
0xb: {  	[smem:$0x3FB1] =	sst s3  }
0xc: {  	[smem:$0x3FB2] =	sst s4  }
0xd: {  	[smem:$0x3FB3] =	sst s5  }
0xe: {  	[smem:$0x3FB4] =	sst s6  }
0xf: {  	[smem:$0x3FB5] =	sst s7  }
0x10: {  	[smem:$0x3FB6] =	sst s8  }
0x11: {  	[smem:$0x3FB7] =	sst s9;
	s0 =	simm.s32 @!p0 $0x0  }
0x12: {  	s1 =	sld [smem:$0x3F9D];
	s0 =	simm.s32 @p0 $0x1  }
0x13: {  	[smem:$0x3FB8] =	sst s0;
	s0 =	simm.s32 @!p1 $0x0  }
0x14: {  	s2 =	sld [smem:$0x3F9C];
	s0 =	simm.s32 @p1 $0x1  }
0x15: {  	[smem:$0x3FB9] =	sst s0;
	s0 =	simm.s32 @!p2 $0x0  }
0x16: {  	s3 =	sld [smem:$0x3FDB];
	s0 =	simm.s32 @p2 $0x1  }
0x17: {  	s4 =	simm.s32 $0x1BF5;
	[smem:$0x3FBB] =	sst s0  }
0x18: {  	s0 =	sld [smem:$0x3F9E];
	_ =	swait.ge [sflag:s4], $0x0  }
0x19: {  	s7 =	sld [smem:$0x3F9F]  }
0x1a: {  	s8 =	sadd.s32 $0xFFFFE003, lr  }
0x1b: {  	s9 =	sadd.s32 $0xFFFFFEF7, lr;
	s5 =	simm.s32 $0xFFFFFFFF;
	p2 =	slt.u32 s8, $0xFFFFF086  }
0x1c: {  	p1 =	slt.u32 s9, $0xF7A;
	s5 =	simm.s32 @!p2 $0x0  }
0x1d: {  	s5 =	simm.s32 @p1 $0x1;
	p0 =	seq.s32 s7, s2  }
0x1e: {  	s7 =	smul.u32 @!p0 $0xF7A, s2;
	p2 =	seq.s32 @!p0 s5, $0x0  }
0x1f: {  	s9 =	smul.u32 $0xF7A, s1;
	s8 =	simm.s32 @!p0 $0x1BF5;
	p2 =	por !p2, p0  }
0x20: {  	[sflag:s8] =	ssyncset.s32 @!p0 $0xFFFFF086;
	s6 =	sadd.s32 @!p0 s3, s7;
	s7 =	simm.s32 @!p0 $0x108  }
0x21: {  	s3 =	sadd.s32 s3, s9;
	s6 =	sadd.s32 @!p0 $0x88, s6;
	s7 =	simm.s32 @p2 $0x1082  }
0x22: {  	[simem:s7], [sflag:s8] =	dma.local @!p0 [hbm:s6], $0xF7A  }
0x23: {  	s9 =	sor.u32 $0xD0000000, s2;
	s6 =	simm.s32 $0x108;
	_ =	swait.ge @!p0 [sflag:s8], $0x0  }
0x24: {  	s3 =	sadd.s32 $0x88, s3;
	s6 =	simm.s32 @!p1 $0x1082;
	[sflag:s4] =	ssyncset.s32 $0xFFFFF086  }
0x25: {  	[simem:s6], [sflag:s4] =	dma.local [hbm:s3], $0xF7A  }
0x26: {  	[smem:$0x3F9F] =	sst s1;
	(tag) =	ssettag s2;
	_ =	strace s9  }
0x27: {  	s1 =	sld [smem:$0x3FAF]  }
0x28: {  	s2 =	sld [smem:$0x3FB0]  }
0x29: {  	s4 =	sld [smem:$0x3FB2]  }
0x2a: {  	p0 =	seq.s32 s5, $0x0;
	s5 =	sld [smem:$0x3FB3]  }
0x2b: {  	s6 =	sld [smem:$0x3FB4]  }
0x2c: {  	s7 =	sld [smem:$0x3FB5]  }
0x2d: {  	s3 =	simm.s32 $0x108;
	s8 =	sld [smem:$0x3FB6]  }
0x2e: {  	s3 =	simm.s32 @!p0 $0x1082;
	s9 =	sld [smem:$0x3FB7]  }
0x2f: {  	lr =	sadd.s32 s0, s3;
	s0 =	sld [smem:$0x3FAE]  }
0x30: {  	s3 =	sld [smem:$0x3FB1]  }
0x31: {  	[smem:$0x3FBA] =	sst s10  }
0x32: {  	s10 =	sld [smem:$0x3FB8];
	_ =	sdelay $0x3  }
0x33: {  	p0 =	seq.s32 s10, $0x1;
	s10 =	sld [smem:$0x3FBA];
	_ =	sdelay $0x3  }
0x34: {  	[smem:$0x3FBA] =	sst s10  }
0x35: {  	s10 =	sld [smem:$0x3FB9];
	_ =	sdelay $0x3  }
0x36: {  	p1 =	seq.s32 s10, $0x1;
	s10 =	sld [smem:$0x3FBA];
	_ =	sdelay $0x3  }
0x37: {  	[smem:$0x3FBA] =	sst s10  }
0x38: {  	s10 =	sld [smem:$0x3FBB]  }
0x39: {  	_ = 	snop;
	(pc) =	sbr.ind lr, $3  }
0x3a: {  	_ = 	snop  }
0x3b: {  	_ = 	snop  }
0x3c: {  	p2 =	seq.s32 s10, $0x1;
	s10 =	sld [smem:$0x3FBA]  }
0x3d: {  	_ =	shalt  }
0x3e: {  	_ =	shalt  }
0x3f: {  	_ =	shalt  }
0x40: {  	_ =	shalt  }
0x41: {  	_ =	shalt  }
0x42: {  	_ =	shalt  }
0x43: {  	_ =	shalt  }
0x44: {  	_ =	shalt  }
0x45: {  	_ =	shalt  }
0x46: {  	_ =	shalt  }
0x47: {  	_ =	shalt  }
0x48: {  	_ =	shalt  }
0x49: {  	_ =	shalt  }
0x4a: {  	_ =	shalt  }
0x4b: {  	_ =	shalt  }
0x4c: {  	_ =	shalt  }
0x4d: {  	_ =	shalt  }
0x4e: {  	_ =	shalt  }
0x4f: {  	_ =	shalt  }
0x50: {  	_ =	shalt  }
0x51: {  	_ =	shalt  }
0x52: {  	_ =	shalt  }
0x53: {  	_ =	shalt  }
0x54: {  	_ =	shalt  }
0x55: {  	_ =	shalt  }
0x56: {  	_ =	shalt  }
0x57: {  	_ =	shalt  }
0x58: {  	_ =	shalt  }
0x59: {  	_ =	shalt  }
0x5a: {  	_ =	shalt  }
0x5b: {  	_ =	shalt  }
0x5c: {  	_ =	shalt  }
0x5d: {  	_ =	shalt  }
0x5e: {  	_ =	shalt  }
0x5f: {  	_ =	shalt  }
0x60: {  	_ =	shalt  }
0x61: {  	_ =	shalt  }
0x62: {  	_ =	shalt  }
0x63: {  	_ =	shalt  }
0x64: {  	_ =	shalt  }
0x65: {  	_ =	shalt  }
0x66: {  	_ =	shalt  }
0x67: {  	_ =	shalt  }
0x68: {  	_ =	shalt  }
0x69: {  	_ =	shalt  }
0x6a: {  	_ =	shalt  }
0x6b: {  	_ =	shalt  }
0x6c: {  	_ =	shalt  }
0x6d: {  	_ =	shalt  }
0x6e: {  	_ =	shalt  }
0x6f: {  	_ =	shalt  }
0x70: {  	_ =	shalt  }
0x71: {  	_ =	shalt  }
0x72: {  	_ =	shalt  }
0x73: {  	_ =	shalt  }
0x74: {  	_ =	shalt  }
0x75: {  	_ =	shalt  }
0x76: {  	_ =	shalt  }
0x77: {  	_ =	shalt  }
0x78: {  	_ =	shalt  }
0x79: {  	_ =	shalt  }
0x7a: {  	_ =	shalt  }
0x7b: {  	_ =	shalt  }
0x7c: {  	_ =	shalt  }
0x7d: {  	_ =	shalt  }
0x7e: {  	_ =	shalt  }
0x7f: {  	_ =	shalt  }
0x80: {  	_ =	shalt  }
0x81: {  	_ =	shalt  }
0x82: {  	_ =	shalt  }
0x83: {  	_ =	shalt  }
0x84: {  	_ =	shalt  }
0x85: {  	_ =	shalt  }
0x86: {  	_ =	shalt  }
0x87: {  	_ =	shalt  }
.Lfunc_end0:
.L_simem_size_0:
called_computation_lowered:
.L_overlay_start_0:
0x88: {  	s2 =	sld [smem:$0x3FD9]  }
0x89: {  	s3 =	sld [smem:$0x3FFE];
	_ =	sdelay $0x1  }
0x8a: {  	s1 =	srdreg.scid  }
0x8b: {  	s0 =	sand.u32 $0x1, s1  }
0x8c: {  	s18 =	sshll.u32 s0, $0xA;
	s2 =	sadd.s32 s3, s2  }
0x8d: {  	s2 =	sadd.s32 s2, s18  }
0x8e: {  	[smem:$0x3FC6] =	sst s2  }
0x8f: {  	_ = 	snop  }
0x90: {  	s2 =	sld [smem:$0x3FC9]  }
0x91: {  	s19 =	sld [smem:$0x3FC8]  }
0x92: {  	s4 =	sld [smem:$0x3FD0];
	(tm) =	ssettm $0x1  }
0x93: {  	s5 =	sld [smem:$0x3FFB];
	_ =	sdelay $0x3  }
0x94: {  	_ =	strace s5  }
0x95: {  	s5 =	sld [smem:$0x3FFC];
	_ =	sdelay $0x3  }
0x96: {  	_ =	strace s5  }
0x97: {  	s5 =	sld [smem:$0x3FFD];
	_ =	sdelay $0x3  }
0x98: {  	_ =	strace s5  }
0x99: {  	_ =	strace $0x8FFFFFFF  }
0x9a: {  	s20 =	sld [smem:$0x3FDB];
	_ =	sdelay $0x1  }
0x9b: {  	s6 =	simm.s32 $_scs_section_size  }
0x9c: {  	s7 =	simm.s32 $_size__tile_overlayer_lowered;
	s8 =	simm.s32 $_tile_overlayer_lowered  }
0x9d: {  	s23 =	simm.s32 $0x1BFF;
	s22 =	sshll.u32 s8, $0x1;
	s5 =	sadd.s32 s6, s20  }
0x9e: {  	s9 =	simm.s32 $0x0;
	s21 =	sshll.u32 s7, $0x1;
	s7 =	sadd.s32 s22, s5  }
0x9f: {  	[timem:s9], [sflag:s23] =	dma.local [hbm:s7], s21  }
0xa0: {  	_ =	swait.ge [sflag:s23], s21  }
0xa1: {  	s6 =	ssub.s32 $0x0, s21;
	[sflag:s23] =	ssyncset.done $0x0  }
0xa2: {  	[sflag:s23] =	ssyncadd.s32 s6;
	_ =	sdelay $0x1  }
0xa3: {  	s24 =	simm.s32 $0x1B8B  }
0xa4: {  	_ =	swait.ge [sflag:s24], $0x1  }
0xa5: {  	[sflag:s24] =	ssyncset.done $0x0  }
0xa6: {  	s25 =	simm.s32 $0x1B8E;
	[sflag:s24] =	ssyncadd.s32 $0xFFFFFFFF  }
0xa7: {  	s26 =	simm.s32 $execute0_lowered;
	[smem:$0x3FD2] =	sst s25  }
0xa8: {  	s6 =	sshll.u32 s26, $0x1;
	_ =	strace $0x80000046;
	[dreg:$0x1] =	wrdreg $0xFFFFFFFF  }
0xa9: {  	s28 =	simm.s32 $_size_execute0_lowered;
	s5 =	sadd.s32 s5, s6;
	[dreg:$0x0] =	wrdreg $0x0  }
0xaa: {  	s6 =	sshll.u32 s28, $0x1;
	[dreg:$0x2] =	wrdreg s5  }
0xab: {  	[dreg:$0x3] =	wrdreg s6  }
0xac: {  	[dreg:$0x4] =	wrdreg $0xC0  }
0xad: {  	_ =	task [dreg:s9], $0x5FFFF  }
0xae: {  	[dreg:$0x1] =	wrdreg $0xFFFFFFFF  }
0xaf: {  	[dreg:$0x0] =	wrdreg $0x60  }
0xb0: {  	[dreg:$0x2] =	wrdreg s2  }
0xb1: {  	[dreg:$0x3] =	wrdreg s19  }
0xb2: {  	[dreg:$0x4] =	wrdreg s4  }
0xb3: {  	[dreg:$0x5] =	wrdreg $0x9  }
0xb4: {  	_ =	task.clear_ibuf [dreg:s9], $0x6FFFF;
	_ =	strace $0x90000046  }
0xb5: {  	s29 =	simm.s32 $0x9;
	_ =	strace $0x80000048  }
0xb6: {  	_ =	swait.ge [sflag:s29], $0x1  }
0xb7: {  	[sflag:s29] =	ssyncadd.s32 $0xFFFFFFFF  }
0xb8: {  	_ =	strace $0x90000048  }
0xb9: {  	_ =	sfence  }
0xba: {  	s30 =	sld [smem:$0x0];
	_ =	sdelay $0x2  }
0xbb: {  	s31 =	sshll.u32 s1, $0xD;
	s1 =	sshrl.u32 s1, $0x2  }
0xbc: {  	s3 =	sand.u32 $0x4000, s31;
	s1 =	sadd.s32 s1, s30  }
0xbd: {  	s0 =	sor.u32 s3, s0;
	s1 =	sshll.u32 s1, $0x11  }
0xbe: {  	s0 =	sor.u32 s1, s0  }
0xbf: {  	s0 =	sadd.s32 $0x8F2B, s0  }
0xc0: {  	[sflag:s0] =	ssyncadd.remote.s32 $0x1  }
0xc1: {  	_ =	sfence.sel $0xFFFF  }
0xc2: {  	[dreg:$0x0] =	wrdreg $0xFFFFFFFF;
	(pc) =	sbr.abs _section_cstart, $3  }
0xc3: {  	[dreg:$0x1] =	wrdreg $0xFFFFFFFF  }
0xc4: {  	_ =	task.clear_ibuf [dreg:s9], $0x2FFFF;
	_ =	strace $0x9FFFFFFF  }
0xc5: {  	(tm) =	ssettm $0x7FFFFFFF  }
tec
execute0_lowered:
.L_overlay_start_1:
0x0: {  	(tag) =	ssettag $0x1  }
0x1: {  	s1 =	stileid.u32  }
0x2: {  	p0 =	sgt.u32 s1, $0x3  }
.Ltmp0:
0x3: {  	s2 =	rddreg [dreg:$0x0];
	(pc) =	sbr.rel @p0 .LBB2_4-.Ltmp0, $4  }
0x4: {  	s4 =	rddreg [dreg:$0x1]  }
0x5: {  	s10 =	rddreg [dreg:$0x2];
	s3 =	simm.s32 $0x0  }
0x6: {  	[smem:$0x7FF] =	sst s3  }
0x7: {  	s0 =	rddreg [dreg:$0x3];
	_ =	strace $0x80000047  }
0x8: {  	s5 =	srdreg.scid  }
0x9: {  	s30 =	sshll.u32 s1, $0x1;
	s6 =	sand.u32 $0x1, s5  }
0xa: {  	s7 =	sor.u32 s6, s30  }
0xb: {  	s11 =	sshll.u32 s7, $0x1  }
0xc: {  	s5 =	sadd.s32 s4, s11;
	s4 =	simm.s32 $0x2  }
0xd: {  	[tilespmem:s3], [sflag:$0x2] =	stream.linear.gather [hbm4b:s5+s3], $0x10, $0x38;
	[tilespmem:$0x180] =	vst v63  }
0xe: {  	_ =	swait.ge [sflag:s4], $0x10  }
0xf: {  	[sflag:s4] =	ssyncset.done $0x0  }
0x10: {  	[sflag:s4] =	ssyncadd.s32 $0xFFFFFFF0  }
0x11: {  	v1 =	vld [tilespmem:$0x0];
	_ =	sdelay $0x3  }
0x12: {  	v0 =	vlaneseq.u32;
	s12 =	ssub.s32 $0x2, s6;
	s7 =	sshll.u32 s7, $0x4  }
0x13: {  	s13 =	sshrl.u32 s12, $0x1;
	v0 =	vor.u32 s7, v0;
	v1 =	vshll.u32 v1, $0x7  }
0x14: {  	s8 =	simm.s32 $0x100;
	s9 =	simm.s32 $0x1;
	s12 =	ssub.s32 s12, s13;
	v1 =	vor.u32 v0, v1  }
0x15: {  	s6 =	simm.s32 $0x10;
	s7 =	simm.s32 $0x80;
	s31 =	smax.u32 s12, $0x1;
	[tilespmem:$0x80] =	vst v1  }
0x16: {  	[tilespmem:s8], [sflag:$0x1] =	stream.indirect.gather [hbm4b:s2+s6], $0x1, s7, s6, $0xb8;
	[tilespmem:$0x180] =	vst v63  }
0x17: {  	p0 =	sne.s32 s31, $0x1;
	_ =	swait.ge [sflag:s9], $0x10  }
.Ltmp1:
0x18: {  	[sflag:s9] =	ssyncset.done $0x0;
	(pc) =	sbr.rel @!p0 .LBB2_3-.Ltmp1, $4  }
0x19: {  	s10 =	sadd.s32 s10, s11;
	[sflag:s9] =	ssyncadd.s32 $0xFFFFFFF0  }
0x1a: {  	[hbm4b:s10+s3] =	stream.linear.scatter [tilespmem:s8], [sflag:$0x2], $0x10, $0x38;
	[tilespmem:$0x180] =	vst v63  }
0x1b: {  	_ =	swait.ge [sflag:s4], $0x10  }
0x1c: {  	s11 =	sadd.s32 $0xFFFFFFFF, s31;
	[sflag:s4] =	ssyncset.done $0x0  }
.LBB2_2:
0x1d: {  	p0 =	sne.s32 s11, $0x1;
	s11 =	sadd.s32 $0xFFFFFFFF, s11;
	[sflag:s4] =	ssyncadd.s32 $0xFFFFFFF0  }
0x1e: {  	[tilespmem:s3], [sflag:$0x2] =	stream.linear.gather [hbm4b:s5+s3], $0x10, $0x38;
	[tilespmem:$0x180] =	vst v63  }
0x1f: {  	_ =	swait.ge [sflag:s4], $0x10  }
0x20: {  	[sflag:s4] =	ssyncset.done $0x0  }
0x21: {  	[sflag:s4] =	ssyncadd.s32 $0xFFFFFFF0  }
0x22: {  	v1 =	vld [tilespmem:$0x0];
	_ =	sdelay $0x4  }
0x23: {  	v1 =	vshll.u32 v1, $0x7  }
0x24: {  	v1 =	vor.u32 v0, v1  }
0x25: {  	[tilespmem:$0x80] =	vst v1  }
0x26: {  	[tilespmem:s8], [sflag:$0x1] =	stream.indirect.gather [hbm4b:s2+s6], $0x1, s7, s6, $0xb8;
	[tilespmem:$0x180] =	vst v63  }
0x27: {  	_ =	swait.ge [sflag:s9], $0x10  }
.Ltmp2:
0x28: {  	[sflag:s9] =	ssyncset.done $0x0;
	(pc) =	sbr.rel @p0 .LBB2_2-.Ltmp2, $4  }
0x29: {  	[sflag:s9] =	ssyncadd.s32 $0xFFFFFFF0  }
0x2a: {  	[hbm4b:s10+s3] =	stream.linear.scatter [tilespmem:s8], [sflag:$0x2], $0x10, $0x38;
	[tilespmem:$0x180] =	vst v63  }
0x2b: {  	_ =	swait.ge [sflag:s4], $0x10  }
0x2c: {  	[sflag:s4] =	ssyncset.done $0x0  }
.LBB2_3:
0x2d: {  	[sflag:s4] =	ssyncadd.s32 $0xFFFFFFF0  }
.LBB2_4:
0x2e: {  	_ =	sfence.sel $0x180000  }
0x2f: {  	[bflag:$0x0] =	sbarrier.arrive $0xFFFF  }
0x30: {  	p0 =	sne.s32 s1, $0x0;
	_ =	strace $0x90000047  }
0x31: {  	s0 =	sadd.s32 @!p0 $0x100000, s0;
	[bflag:$0x2] =	sbarrier.arrive $0xFFFF  }
0x32: {  	[sflag:s0] =	ssyncadd.tile.s32 @!p0 $0x1;
	_ =	shalt  }
.Lfunc_end2:
_tile_overlayer_lowered:
.L_overlay_start_2:
0x33: {  	(tag) =	ssettag $0x2  }
0x34: {  	s0 =	rddreg [dreg:$0x0];
	s2 =	stileid.u32  }
0x35: {  	s1 =	rddreg [dreg:$0x1];
	p0 =	sne.s32 s2, $0x0  }
0x36: {  	s3 =	rddreg [dreg:$0x2];
	[bflag:$0x3] =	sbarrier.arrive $0xFFFF;
	s2 =	simm.s32 @!p0 $0x1C02  }
0x37: {  	[timem:s3], [sflag:s2] =	dma.local @!p0 [hbm:s0], s1  }
0x38: {  	s0 =	simm.s32 @!p0 $0x2  }
0x39: {  	_ =	swait.ge @!p0 [sflag:s0], s1  }
0x3a: {  	s1 =	ssub.s32 @!p0 $0x0, s1;
	[sflag:s0] =	ssyncset.done @!p0 $0x0  }
0x3b: {  	[sflag:s0] =	ssyncadd.s32 @!p0 s1  }
0x3c: {  	[bflag:$0x3] =	sbarrier.arrive $0xFFFF  }
0x3d: {  	_ =	shalt  }

</sc_bundles>
